<compile_context>
chip_gen: v7x
topology: tpu7x:2x2x1
jax: 0.10.2.dev20260603
libtpu: 0.0.44.dev20260713+nightly
codegen_flags: <defaults>
</compile_context>

<pallas_src>
import functools

import jax
import jax.numpy as jnp
import numpy as np
from jax import lax
from jax.experimental import pallas as pl
from jax.experimental.pallas import tpu as pltpu
from jax.experimental.pallas import tpu_sc as plsc

M_MAX = 2
MAX_NO_ORBITALS_PER_M = 2
MAX_SPLIT_PER_M = 1
NCOEF = 4
NO_ORB = M_MAX * MAX_NO_ORBITALS_PER_M * MAX_SPLIT_PER_M
P = NO_ORB * (NO_ORB - 1) // 2
G = 16

NW = 32
CHUNK = 64
UNROLL = 8
PE = 8

_I_IDX, _J_IDX = np.triu_indices(NO_ORB, k=1)


def _emb_body(nblk_valid, x_ref, w_ref, b_ref, o_ref):
    i = pl.program_id(0)

    @pl.when(i < nblk_valid)
    def _():
        o_ref[...] = (
            jnp.dot(x_ref[...], w_ref[...], preferred_element_type=jnp.float32)
            + b_ref[...]
        )

    @pl.when(i >= nblk_valid)
    def _():
        o_ref[...] = jnp.zeros_like(o_ref)


def _make_emb(n_pairs, n_pad, emb_size):
    blk = 1280
    assert n_pairs % blk == 0 and n_pad % blk == 0
    nblk_valid = n_pairs // blk
    grid = n_pad // blk
    return pl.pallas_call(
        functools.partial(_emb_body, nblk_valid),
        grid=(grid,),
        in_specs=[
            pl.BlockSpec((blk, emb_size), lambda i: (jnp.minimum(i, nblk_valid - 1), 0)),
            pl.BlockSpec((emb_size, PE), lambda i: (0, 0)),
            pl.BlockSpec((1, PE), lambda i: (0, 0)),
        ],
        out_specs=pl.BlockSpec((blk, PE), lambda i: (i, 0)),
        out_shape=jax.ShapeDtypeStruct((n_pad, PE), jnp.float32),
    )


def _table_body(z_ref, r_ref, c_ref, o_ref):
    zf = z_ref[...]
    r = r_ref[...]
    coords = c_ref[...]
    d = r[:, None, :] - coords[None, :, :]
    dist = jnp.sqrt(jnp.sum(d * d, axis=-1))
    mult = 1.0 + 0.01 * jnp.sqrt(jnp.sum(r * r, axis=-1))
    o_i = lax.broadcasted_iota(jnp.int32, (NO_ORB, NCOEF), 0)
    c_i = lax.broadcasted_iota(jnp.int32, (NO_ORB, NCOEF), 1)
    arr = 0.5 + 0.1 * (NCOEF * o_i + c_i).astype(jnp.float32)
    base = 0.1 * (zf[:, 0] + 1.0) * mult
    coeff = base[:, None, None] * arr[None, :, :]
    earg = coeff[:, :, None, :] * dist[:, None, :, None]
    orb = jnp.sum(coeff[:, :, None, :] * jnp.exp(-earg), axis=-1)
    chans = [orb[:, int(i), :] * orb[:, int(j), :] for i, j in zip(_I_IDX, _J_IDX)]
    o_ref[...] = jnp.concatenate(chans, axis=-1)


def _make_table(n_atoms):
    blk = 400
    assert n_atoms % blk == 0
    grid = n_atoms // blk
    return pl.pallas_call(
        _table_body,
        grid=(grid,),
        in_specs=[
            pl.BlockSpec((blk, 1), lambda i: (i, 0)),
            pl.BlockSpec((blk, 3), lambda i: (i, 0)),
            pl.BlockSpec((G, 3), lambda i: (0, 0)),
        ],
        out_specs=pl.BlockSpec((blk, P * G), lambda i: (i, 0)),
        out_shape=jax.ShapeDtypeStruct((n_atoms, P * G), jnp.float32),
    )


def _sc_body(n_chunks, n_mol, n_atoms, table_hbm, idx_hbm, mol_hbm, emb_hbm,
             out_hbm, table_sh, idx_v, mol_v, emb_v, rows_v, acc_v, sem):
    sid = lax.axis_index("s")
    wid = sid * 2 + lax.axis_index("c")

    rows_per = n_atoms // 16
    pltpu.sync_copy(
        table_hbm.at[pl.ds(sid * rows_per, rows_per)],
        table_sh.at[pl.ds(sid * rows_per, rows_per)],
    )

    tp = n_chunks * CHUNK
    pltpu.sync_copy(idx_hbm.at[wid], idx_v)
    pltpu.sync_copy(mol_hbm.at[wid], mol_v.at[pl.ds(0, tp)])
    plsc.subcore_barrier()

    zero = jnp.zeros((16,), jnp.float32)

    def zinit(m, carry):
        for p in range(P):
            acc_v[m, pl.ds(16 * p, 16)] = zero
        return carry

    lax.fori_loop(0, n_mol, zinit, 0)

    def compute(ci, rows_v, emb_v):
        g0 = ci * CHUNK
        mol_lo = mol_v[pl.ds(g0, 16)][0]
        mol_hi = mol_v[pl.ds(g0 + CHUNK - 1, 16)][0]

        def one_pair(k, accs):
            e_vec = emb_v[pl.ds(k * PE, 16)]
            o = []
            for p in range(P):
                vi = rows_v[2 * k, pl.ds(16 * p, 16)]
                vj = rows_v[2 * k + 1, pl.ds(16 * p, 16)]
                o.append(accs[p] + vi * vj * e_vec[p])
            return tuple(o)

        def fast(_):
            def grp(t, accs):
                for u in range(UNROLL):
                    accs = one_pair(t * UNROLL + u, accs)
                return accs

            accs = lax.fori_loop(0, CHUNK // UNROLL, grp, (zero,) * P)
            for p in range(P):
                acc_v[mol_lo, pl.ds(16 * p, 16)] += accs[p]
            return 0

        def slow(_):
            def pair_body(k, c2):
                g = g0 + k
                mol = mol_v[pl.ds(g, 16)][0]
                e_vec = emb_v[pl.ds(k * PE, 16)]
                for p in range(P):
                    vi = rows_v[2 * k, pl.ds(16 * p, 16)]
                    vj = rows_v[2 * k + 1, pl.ds(16 * p, 16)]
                    acc_v[mol, pl.ds(16 * p, 16)] += vi * vj * e_vec[p]
                return c2

            lax.fori_loop(0, CHUNK, pair_body, 0)
            return 0

        lax.cond(mol_lo == mol_hi, fast, slow, 0)

    def chunk_body(ci, carry):
        pltpu.async_copy(table_sh.at[idx_v.at[ci]], rows_v, sem).wait()
        pltpu.async_copy(
            emb_hbm.at[wid].at[ci], emb_v.at[pl.ds(0, CHUNK * PE)], sem
        ).wait()
        compute(ci, rows_v, emb_v)
        return carry

    lax.fori_loop(0, n_chunks, chunk_body, 0)
    pltpu.sync_copy(acc_v, out_hbm.at[wid])


def _make_sc(n_atoms, n_chunks, n_mol):
    tp = n_chunks * CHUNK
    mesh = plsc.VectorSubcoreMesh(
        core_axis_name="c", subcore_axis_name="s", num_cores=2, num_subcores=16
    )
    assert n_atoms % 16 == 0
    return pl.kernel(
        functools.partial(_sc_body, n_chunks, n_mol, n_atoms),
        out_type=jax.ShapeDtypeStruct((NW, n_mol, P * G), jnp.float32),
        mesh=mesh,
        scratch_types=[
            pltpu.VMEM_SHARED((n_atoms, P * G), jnp.float32),
            pltpu.VMEM((n_chunks, 2 * CHUNK), jnp.int32),
            pltpu.VMEM((tp + 16,), jnp.int32),
            pltpu.VMEM((CHUNK * PE + 16,), jnp.float32),
            pltpu.VMEM((2 * CHUNK, P * G), jnp.float32),
            pltpu.VMEM((n_mol, P * G), jnp.float32),
            pltpu.SemaphoreType.DMA,
        ],
        compiler_params=pltpu.CompilerParams(use_tc_tiling_on_sc=False),
    )


def _reduce_body(p_ref, o_ref):
    o_ref[...] = jnp.sum(p_ref[...], axis=0)


def _make_reduce(n_mol):
    return pl.pallas_call(
        _reduce_body,
        out_shape=jax.ShapeDtypeStruct((n_mol, P * G), jnp.float32),
    )


def kernel(out, Z, R, coords, N, atom_pair_indices, atom_pair_mol_id, W, b):
    n_pairs, emb_size = out.shape
    n_atoms = Z.shape[0]
    n_mol = N.shape[0]

    round_to = 40960
    n_pad = ((n_pairs + round_to - 1) // round_to) * round_to
    tp = n_pad // NW
    n_chunks = tp // CHUNK

    w_pad = jnp.zeros((emb_size, PE), jnp.float32).at[:, :P].set(W)
    b_pad = jnp.zeros((1, PE), jnp.float32).at[0, :P].set(b)

    emb = _make_emb(n_pairs, n_pad, emb_size)(out, w_pad, b_pad)
    table = _make_table(n_atoms)(
        Z.astype(jnp.float32).reshape(n_atoms, 1), R, coords
    )

    pad_n = n_pad - n_pairs
    idx = jnp.pad(atom_pair_indices.reshape(-1), (0, 2 * pad_n)).reshape(
        NW, n_chunks, 2 * CHUNK
    )
    mol = jnp.pad(atom_pair_mol_id, (0, pad_n)).reshape(NW, tp)
    embr = emb.reshape(NW, tp // CHUNK, CHUNK * PE)

    partials = _make_sc(n_atoms, n_chunks, n_mol)(table, idx, mol, embr)
    dens = _make_reduce(n_mol)(partials)
    return jnp.transpose(dens.reshape(n_mol, P, G), (0, 2, 1))

# --- scband reference (transcript-rebuilt; emitter-appended) ---
"""Pipeline reference for scband-output-block-43465069035927 (READ-ONLY COPY).

The authoritative reference and input builder live on the scoring server;
editing this copy changes nothing except your own understanding.
"""

import jax, jax.numpy as jnp
import numpy as np

M_MAX = 2
MAX_NO_ORBITALS_PER_M = 2
MAX_SPLIT_PER_M = 1
MAX_NUMBER_COEFFS_PER_AO = 4
NUM_GRID_POINTS = 16
EMB_SIZE = 128
NO_ORB = M_MAX * MAX_NO_ORBITALS_PER_M * MAX_SPLIT_PER_M  # 4
P = NO_ORB * (NO_ORB - 1) // 2  # 6
N_ATOMS = 10000
N_PAIRS = 160000
N_MOL = 100


def extract_coeffs(Z):
    # Deterministic per-element contraction coefficients/exponents, shape [n_atoms, NO_ORB, NCOEF]
    base = Z.astype(jnp.float32) + 1.0
    arr = 0.5 + 0.1 * jnp.arange(NO_ORB * MAX_NUMBER_COEFFS_PER_AO, dtype=jnp.float32).reshape(NO_ORB, MAX_NUMBER_COEFFS_PER_AO)
    return 0.1 * base[:, None, None] * arr


def spatial_multipliers(Z, R, coords):
    # Smooth differentiable per-atom multiplier, shape [n_atoms, 1, 1]
    return (1.0 + 0.01 * jnp.linalg.norm(R, axis=-1))[:, None, None]


def setup_inputs(seed: int = 0) -> dict:
    key = jax.random.key(seed)
    ks = jax.random.split(key, 8)
    out = jax.random.normal(ks[0], (N_PAIRS, EMB_SIZE), dtype=jnp.float32)
    Z = jax.random.randint(ks[1], (N_ATOMS,), 0, 10)
    R = 5.0 * jax.random.normal(ks[2], (N_ATOMS, 3), dtype=jnp.float32)
    coords = 5.0 * jax.random.normal(ks[3], (NUM_GRID_POINTS, 3), dtype=jnp.float32)
    N = jnp.ones((N_MOL,), dtype=jnp.int32)
    atom_pair_indices = jax.random.randint(ks[4], (N_PAIRS, 2), 0, N_ATOMS)
    atom_pair_mol_id = jnp.sort(jax.random.randint(ks[5], (N_PAIRS,), 0, N_MOL))
    W = 0.05 * jax.random.normal(ks[6], (EMB_SIZE, P), dtype=jnp.float32)
    b = jnp.zeros((P,), dtype=jnp.float32)
    return {"out": out, "Z": Z, "R": R, "coords": coords, "N": N,
            "atom_pair_indices": atom_pair_indices, "atom_pair_mol_id": atom_pair_mol_id,
            "W": W, "b": b}


def _forward(out, R, coords, W, b, Z, N, atom_pair_indices, atom_pair_mol_id):
    out = out @ W + b  # Dense -> [n_pairs, P]
    dm_guess = out  # reshape_dm treated as identity; ragged grouping via cumsum(N) is unused downstream
    row_limits = jnp.cumsum(N)
    n_mol = N.shape[0]
    R_min_coords = jnp.linalg.norm(R[:, None, :] - coords[None, :, :], axis=-1)  # [n_atoms, G]
    coeffs = extract_coeffs(Z)
    multipliers = spatial_multipliers(Z, R, coords)
    coeffs = coeffs * multipliers
    coefficients = coeffs[:, :, None, :]  # [n_atoms, NO_ORB, 1, NCOEF]
    exponents = coeffs[:, :, None, :]
    orbitals = coefficients * jnp.exp(-1.0 * exponents * R_min_coords[:, None, :, None])
    orbitals = jnp.sum(orbitals, axis=-1)  # [n_atoms, NO_ORB, G]
    # reshape_orbitals: expand to the P = NO_ORB*(NO_ORB-1)/2 off-diagonal orbital-pair channels
    i_idx, j_idx = np.triu_indices(NO_ORB, k=1)
    orbitals = orbitals[:, i_idx, :] * orbitals[:, j_idx, :]  # [n_atoms, P, G]
    orbitals = jnp.transpose(orbitals, (0, 2, 1))  # [n_atoms, G, P]
    atom_pairs = orbitals[atom_pair_indices]  # gather -> [n_pairs, 2, G, P]
    orbital_pairs_multiplied = jnp.prod(atom_pairs, axis=1)  # [n_pairs, G, P]
    orbital_pairs_multiplied = orbital_pairs_multiplied * out[:, None, :]
    densities_molecule_wise = jax.ops.segment_sum(orbital_pairs_multiplied, atom_pair_mol_id, num_segments=n_mol)
    return densities_molecule_wise  # [n_mol, G, P]


def reference(out, Z, R, coords, N, atom_pair_indices, atom_pair_mol_id, W, b):
    return _forward(out, R, coords, W, b, Z, N, atom_pair_indices, atom_pair_mol_id)

if __name__ == "__main__":
    import jax
    _d = setup_inputs()
    print(jax.jit(kernel)(*tuple(_d.values())))

</pallas_src>

<mosaic_0001>
#map = affine_map<(d0, d1) -> (0, 0)>
#map1 = affine_map<(d0, d1) -> (0, 0, 0)>
module attributes {stable_mosaic.version = 14 : i64} {
  func.func @_sc_body(%arg0: i32, %arg1: i32, %arg2: memref<10000x96xf32, #tpu.memory_space<hbm>>, %arg3: memref<32x80x128xi32, #tpu.memory_space<hbm>>, %arg4: memref<32x5120xi32, #tpu.memory_space<hbm>>, %arg5: memref<32x80x512xf32, #tpu.memory_space<hbm>>, %arg6: memref<32x100x96xf32, #tpu.memory_space<hbm>>, %arg7: memref<10000x96xf32, #tpu.memory_space<vmem_shared>>, %arg8: memref<80x128xi32, #tpu.memory_space<vmem>>, %arg9: memref<5136xi32, #tpu.memory_space<vmem>>, %arg10: memref<528xf32, #tpu.memory_space<vmem>>, %arg11: memref<128x96xf32, #tpu.memory_space<vmem>>, %arg12: memref<100x96xf32, #tpu.memory_space<vmem>>, %arg13: memref<!tpu.dma_semaphore, #tpu.memory_space<semaphore_mem>>) attributes {dimension_semantics = [#tpu.dimension_semantics<core_parallel>, #tpu.dimension_semantics<subcore_parallel>], iteration_bounds = array<i64: 2, 16>, scalar_prefetch = 0 : i64, scratch_operands = 7 : i64, tpu.core_type = #tpu.core_type<sc_vector_subcore>, window_params = [{transform_indices = #map}, {transform_indices = #map1}, {transform_indices = #map}, {transform_indices = #map1}, {transform_indices = #map1}]} {
    %mul3A = arith.constant 2 : i32
    %mul3A_0 = arith.muli %arg1, %mul3A : i32
    %add3A = arith.addi %mul3A_0, %arg0 : i32
    %mul3A_1 = arith.constant 625 : i32
    %mul3A_2 = arith.muli %arg1, %mul3A_1 : i32
    %mul3A_3 = arith.constant 625 : i32
    %mul3A_4 = arith.muli %arg1, %mul3A_3 : i32
    "tpu.region"() ({
      %run_scoped3A = tpu.sem_alloc : memref<!tpu.dma_semaphore, #tpu.memory_space<semaphore_mem>>
      %dma_start3A = arith.constant 0 : i32
      %dma_start3A_17 = tpu.memref_slice %arg7[%mul3A_4, %dma_start3A] : memref<10000x96xf32, #tpu.memory_space<vmem_shared>> -> memref<625x96xf32, #tpu.memory_space<vmem_shared>>
      %dma_start3A_18 = arith.constant 0 : i32
      %dma_start3A_19 = tpu.memref_slice %arg2[%mul3A_2, %dma_start3A_18] : memref<10000x96xf32, #tpu.memory_space<hbm>> -> memref<625x96xf32, #tpu.memory_space<hbm>>
      tpu.enqueue_dma source(%dma_start3A_19 : memref<625x96xf32, #tpu.memory_space<hbm>>) target(%dma_start3A_17 : memref<625x96xf32, #tpu.memory_space<vmem_shared>>) target_semaphore(%run_scoped3A : memref<!tpu.dma_semaphore, #tpu.memory_space<semaphore_mem>>)
      %dma_wait3A = arith.constant 0 : i32
      %dma_wait3A_20 = tpu.memref_slice %arg7[%mul3A_4, %dma_wait3A] : memref<10000x96xf32, #tpu.memory_space<vmem_shared>> -> memref<625x96xf32, #tpu.memory_space<vmem_shared>>
      %dma_wait3A_21 = arith.constant 0 : i32
      %dma_wait3A_22 = tpu.memref_slice %arg2[%mul3A_2, %dma_wait3A_21] : memref<10000x96xf32, #tpu.memory_space<hbm>> -> memref<625x96xf32, #tpu.memory_space<hbm>>
      tpu.wait_dma2 semaphore(%run_scoped3A : memref<!tpu.dma_semaphore, #tpu.memory_space<semaphore_mem>>) src(%dma_wait3A_22 : memref<625x96xf32, #tpu.memory_space<hbm>>) dst(%dma_wait3A_20 : memref<625x96xf32, #tpu.memory_space<vmem_shared>>)
      tpu.yield
    }) : () -> ()
    "tpu.region"() ({
      %run_scoped3A = tpu.sem_alloc : memref<!tpu.dma_semaphore, #tpu.memory_space<semaphore_mem>>
      %dma_start3A = arith.constant 0 : i32
      %dma_start3A_17 = arith.constant 0 : i32
      %dma_start3A_18 = tpu.memref_slice %arg3[%add3A, %dma_start3A, %dma_start3A_17] : memref<32x80x128xi32, #tpu.memory_space<hbm>> -> memref<1x80x128xi32, #tpu.memory_space<hbm>>
      %dma_start3A_19 = tpu.memref_squeeze %dma_start3A_18 : memref<1x80x128xi32, #tpu.memory_space<hbm>> -> memref<80x128xi32, #tpu.memory_space<hbm>>
      %dma_start3A_20 = arith.constant 0 : i32
      %dma_start3A_21 = arith.constant 0 : i32
      %dma_start3A_22 = tpu.memref_slice %arg3[%add3A, %dma_start3A_20, %dma_start3A_21] : memref<32x80x128xi32, #tpu.memory_space<hbm>> -> memref<1x80x128xi32, #tpu.memory_space<hbm>>
      %dma_start3A_23 = tpu.memref_squeeze %dma_start3A_22 : memref<1x80x128xi32, #tpu.memory_space<hbm>> -> memref<80x128xi32, #tpu.memory_space<hbm>>
      tpu.enqueue_dma source(%dma_start3A_23 : memref<80x128xi32, #tpu.memory_space<hbm>>) target(%arg8 : memref<80x128xi32, #tpu.memory_space<vmem>>) target_semaphore(%run_scoped3A : memref<!tpu.dma_semaphore, #tpu.memory_space<semaphore_mem>>)
      %dma_wait3A = arith.constant 0 : i32
      %dma_wait3A_24 = arith.constant 0 : i32
      %dma_wait3A_25 = tpu.memref_slice %arg3[%add3A, %dma_wait3A, %dma_wait3A_24] : memref<32x80x128xi32, #tpu.memory_space<hbm>> -> memref<1x80x128xi32, #tpu.memory_space<hbm>>
      %dma_wait3A_26 = tpu.memref_squeeze %dma_wait3A_25 : memref<1x80x128xi32, #tpu.memory_space<hbm>> -> memref<80x128xi32, #tpu.memory_space<hbm>>
      %dma_wait3A_27 = arith.constant 0 : i32
      %dma_wait3A_28 = arith.constant 0 : i32
      %dma_wait3A_29 = tpu.memref_slice %arg3[%add3A, %dma_wait3A_27, %dma_wait3A_28] : memref<32x80x128xi32, #tpu.memory_space<hbm>> -> memref<1x80x128xi32, #tpu.memory_space<hbm>>
      %dma_wait3A_30 = tpu.memref_squeeze %dma_wait3A_29 : memref<1x80x128xi32, #tpu.memory_space<hbm>> -> memref<80x128xi32, #tpu.memory_space<hbm>>
      tpu.wait_dma2 semaphore(%run_scoped3A : memref<!tpu.dma_semaphore, #tpu.memory_space<semaphore_mem>>) src(%dma_wait3A_30 : memref<80x128xi32, #tpu.memory_space<hbm>>) dst(%arg8 : memref<80x128xi32, #tpu.memory_space<vmem>>)
      tpu.yield
    }) : () -> ()
    "tpu.region"() ({
      %run_scoped3A = tpu.sem_alloc : memref<!tpu.dma_semaphore, #tpu.memory_space<semaphore_mem>>
      %dma_start3A = arith.constant 0 : i32
      %dma_start3A_17 = tpu.memref_slice %arg9[%dma_start3A] : memref<5136xi32, #tpu.memory_space<vmem>> -> memref<5120xi32, #tpu.memory_space<vmem>>
      %dma_start3A_18 = arith.constant 0 : i32
      %dma_start3A_19 = tpu.memref_slice %arg4[%add3A, %dma_start3A_18] : memref<32x5120xi32, #tpu.memory_space<hbm>> -> memref<1x5120xi32, #tpu.memory_space<hbm>>
      %dma_start3A_20 = tpu.memref_squeeze %dma_start3A_19 : memref<1x5120xi32, #tpu.memory_space<hbm>> -> memref<5120xi32, #tpu.memory_space<hbm>>
      %dma_start3A_21 = arith.constant 0 : i32
      %dma_start3A_22 = tpu.memref_slice %arg9[%dma_start3A_21] : memref<5136xi32, #tpu.memory_space<vmem>> -> memref<5120xi32, #tpu.memory_space<vmem>>
      %dma_start3A_23 = arith.constant 0 : i32
      %dma_start3A_24 = tpu.memref_slice %arg4[%add3A, %dma_start3A_23] : memref<32x5120xi32, #tpu.memory_space<hbm>> -> memref<1x5120xi32, #tpu.memory_space<hbm>>
      %dma_start3A_25 = tpu.memref_squeeze %dma_start3A_24 : memref<1x5120xi32, #tpu.memory_space<hbm>> -> memref<5120xi32, #tpu.memory_space<hbm>>
      tpu.enqueue_dma source(%dma_start3A_25 : memref<5120xi32, #tpu.memory_space<hbm>>) target(%dma_start3A_22 : memref<5120xi32, #tpu.memory_space<vmem>>) target_semaphore(%run_scoped3A : memref<!tpu.dma_semaphore, #tpu.memory_space<semaphore_mem>>)
      %dma_wait3A = arith.constant 0 : i32
      %dma_wait3A_26 = tpu.memref_slice %arg9[%dma_wait3A] : memref<5136xi32, #tpu.memory_space<vmem>> -> memref<5120xi32, #tpu.memory_space<vmem>>
      %dma_wait3A_27 = arith.constant 0 : i32
      %dma_wait3A_28 = tpu.memref_slice %arg4[%add3A, %dma_wait3A_27] : memref<32x5120xi32, #tpu.memory_space<hbm>> -> memref<1x5120xi32, #tpu.memory_space<hbm>>
      %dma_wait3A_29 = tpu.memref_squeeze %dma_wait3A_28 : memref<1x5120xi32, #tpu.memory_space<hbm>> -> memref<5120xi32, #tpu.memory_space<hbm>>
      %dma_wait3A_30 = arith.constant 0 : i32
      %dma_wait3A_31 = tpu.memref_slice %arg9[%dma_wait3A_30] : memref<5136xi32, #tpu.memory_space<vmem>> -> memref<5120xi32, #tpu.memory_space<vmem>>
      %dma_wait3A_32 = arith.constant 0 : i32
      %dma_wait3A_33 = tpu.memref_slice %arg4[%add3A, %dma_wait3A_32] : memref<32x5120xi32, #tpu.memory_space<hbm>> -> memref<1x5120xi32, #tpu.memory_space<hbm>>
      %dma_wait3A_34 = tpu.memref_squeeze %dma_wait3A_33 : memref<1x5120xi32, #tpu.memory_space<hbm>> -> memref<5120xi32, #tpu.memory_space<hbm>>
      tpu.wait_dma2 semaphore(%run_scoped3A : memref<!tpu.dma_semaphore, #tpu.memory_space<semaphore_mem>>) src(%dma_wait3A_34 : memref<5120xi32, #tpu.memory_space<hbm>>) dst(%dma_wait3A_31 : memref<5120xi32, #tpu.memory_space<vmem>>)
      tpu.yield
    }) : () -> ()
    %barrier3A = arith.constant 0 : index
    tpu.barrier barrier_id(%barrier3A)
    %broadcast_in_dim3A = arith.constant 0.000000e+00 : f32
    %broadcast_in_dim3A_5 = vector.broadcast %broadcast_in_dim3A : f32 to vector<16xf32>
    %scan3A = arith.constant 0 : i32
    %scan3A_6 = arith.constant 0 : i32
    %scan3A_7 = arith.constant 100 : i32
    %scan3A_8 = arith.addi %scan3A_6, %scan3A_7 : i32
    %scan3A_9 = arith.constant 1 : i32
    scf.for %scan3A_17 = %scan3A_6 to %scan3A_8 step %scan3A_9  : i32 {
      %swap3A = arith.index_cast %scan3A_17 : i32 to index
      %swap3A_18 = arith.constant 0 : index
      %swap3A_19 = tpu.vector_load %arg12[%swap3A, %swap3A_18] {strides = array<i32>} : memref<100x96xf32, #tpu.memory_space<vmem>>, vector<1x16xf32>,
      %swap3A_20 = vector.shape_cast %swap3A_19 : vector<1x16xf32> to vector<16xf32>
      %swap3A_21 = vector.shape_cast %broadcast_in_dim3A_5 : vector<16xf32> to vector<1x16xf32>
      tpu.vector_store %arg12[%swap3A, %swap3A_18], %swap3A_21 {strides = array<i32>} : memref<100x96xf32, #tpu.memory_space<vmem>>, vector<1x16xf32>,
      %swap3A_22 = arith.index_cast %scan3A_17 : i32 to index
      %swap3A_23 = arith.constant 16 : index
      %swap3A_24 = tpu.vector_load %arg12[%swap3A_22, %swap3A_23] {strides = array<i32>} : memref<100x96xf32, #tpu.memory_space<vmem>>, vector<1x16xf32>,
      %swap3A_25 = vector.shape_cast %swap3A_24 : vector<1x16xf32> to vector<16xf32>
      %swap3A_26 = vector.shape_cast %broadcast_in_dim3A_5 : vector<16xf32> to vector<1x16xf32>
      tpu.vector_store %arg12[%swap3A_22, %swap3A_23], %swap3A_26 {strides = array<i32>} : memref<100x96xf32, #tpu.memory_space<vmem>>, vector<1x16xf32>,
      %swap3A_27 = arith.index_cast %scan3A_17 : i32 to index
      %swap3A_28 = arith.constant 32 : index
      %swap3A_29 = tpu.vector_load %arg12[%swap3A_27, %swap3A_28] {strides = array<i32>} : memref<100x96xf32, #tpu.memory_space<vmem>>, vector<1x16xf32>,
      %swap3A_30 = vector.shape_cast %swap3A_29 : vector<1x16xf32> to vector<16xf32>
      %swap3A_31 = vector.shape_cast %broadcast_in_dim3A_5 : vector<16xf32> to vector<1x16xf32>
      tpu.vector_store %arg12[%swap3A_27, %swap3A_28], %swap3A_31 {strides = array<i32>} : memref<100x96xf32, #tpu.memory_space<vmem>>, vector<1x16xf32>,
      %swap3A_32 = arith.index_cast %scan3A_17 : i32 to index
      %swap3A_33 = arith.constant 48 : index
      %swap3A_34 = tpu.vector_load %arg12[%swap3A_32, %swap3A_33] {strides = array<i32>} : memref<100x96xf32, #tpu.memory_space<vmem>>, vector<1x16xf32>,
      %swap3A_35 = vector.shape_cast %swap3A_34 : vector<1x16xf32> to vector<16xf32>
      %swap3A_36 = vector.shape_cast %broadcast_in_dim3A_5 : vector<16xf32> to vector<1x16xf32>
      tpu.vector_store %arg12[%swap3A_32, %swap3A_33], %swap3A_36 {strides = array<i32>} : memref<100x96xf32, #tpu.memory_space<vmem>>, vector<1x16xf32>,
      %swap3A_37 = arith.index_cast %scan3A_17 : i32 to index
      %swap3A_38 = arith.constant 64 : index
      %swap3A_39 = tpu.vector_load %arg12[%swap3A_37, %swap3A_38] {strides = array<i32>} : memref<100x96xf32, #tpu.memory_space<vmem>>, vector<1x16xf32>,
      %swap3A_40 = vector.shape_cast %swap3A_39 : vector<1x16xf32> to vector<16xf32>
      %swap3A_41 = vector.shape_cast %broadcast_in_dim3A_5 : vector<16xf32> to vector<1x16xf32>
      tpu.vector_store %arg12[%swap3A_37, %swap3A_38], %swap3A_41 {strides = array<i32>} : memref<100x96xf32, #tpu.memory_space<vmem>>, vector<1x16xf32>,
      %swap3A_42 = arith.index_cast %scan3A_17 : i32 to index
      %swap3A_43 = arith.constant 80 : index
      %swap3A_44 = tpu.vector_load %arg12[%swap3A_42, %swap3A_43] {strides = array<i32>} : memref<100x96xf32, #tpu.memory_space<vmem>>, vector<1x16xf32>,
      %swap3A_45 = vector.shape_cast %swap3A_44 : vector<1x16xf32> to vector<16xf32>
      %swap3A_46 = vector.shape_cast %broadcast_in_dim3A_5 : vector<16xf32> to vector<1x16xf32>
      tpu.vector_store %arg12[%swap3A_42, %swap3A_43], %swap3A_46 {strides = array<i32>} : memref<100x96xf32, #tpu.memory_space<vmem>>, vector<1x16xf32>,
    }
    %scan3A_10 = arith.constant 100 : i32
    %scan3A_11 = arith.constant 0 : i32
    %scan3A_12 = arith.constant 0 : i32
    %scan3A_13 = arith.constant 80 : i32
    %scan3A_14 = arith.addi %scan3A_12, %scan3A_13 : i32
    %scan3A_15 = arith.constant 1 : i32
    scf.for %scan3A_17 = %scan3A_12 to %scan3A_14 step %scan3A_15  : i32 {
      %dma_start3A = arith.constant 0 : i32
      %dma_start3A_18 = tpu.memref_slice %arg8[%scan3A_17, %dma_start3A] : memref<80x128xi32, #tpu.memory_space<vmem>> -> memref<1x128xi32, #tpu.memory_space<vmem>>
      %dma_start3A_19 = tpu.memref_squeeze %dma_start3A_18 : memref<1x128xi32, #tpu.memory_space<vmem>> -> memref<128xi32, #tpu.memory_space<vmem>>
      %dma_start3A_20 = arith.constant 0 : i32
      %dma_start3A_21 = arith.constant 0 : i32
      %dma_start3A_22 = tpu.memref_slice %arg7[%dma_start3A_20, %dma_start3A_21] : memref<10000x96xf32, #tpu.memory_space<vmem_shared>> -> memref<10000x96xf32, #tpu.memory_space<vmem_shared>>
      tpu.enqueue_indirect_dma source(%dma_start3A_22 : memref<10000x96xf32, #tpu.memory_space<vmem_shared>>) target(%arg11 : memref<128x96xf32, #tpu.memory_space<vmem>>) offsets(%dma_start3A_19 : memref<128xi32, #tpu.memory_space<vmem>>) semaphore(%arg13 : memref<!tpu.dma_semaphore, #tpu.memory_space<semaphore_mem>>)
      %dma_wait3A = arith.constant 0 : i32
      %dma_wait3A_23 = tpu.memref_slice %arg8[%scan3A_17, %dma_wait3A] : memref<80x128xi32, #tpu.memory_space<vmem>> -> memref<1x128xi32, #tpu.memory_space<vmem>>
      %dma_wait3A_24 = tpu.memref_squeeze %dma_wait3A_23 : memref<1x128xi32, #tpu.memory_space<vmem>> -> memref<128xi32, #tpu.memory_space<vmem>>
      %dma_wait3A_25 = arith.constant 0 : i32
      %dma_wait3A_26 = arith.constant 0 : i32
      %dma_wait3A_27 = tpu.memref_slice %arg7[%dma_wait3A_25, %dma_wait3A_26] : memref<10000x96xf32, #tpu.memory_space<vmem_shared>> -> memref<10000x96xf32, #tpu.memory_space<vmem_shared>>
      tpu.wait_indirect_dma semaphore(%arg13 : memref<!tpu.dma_semaphore, #tpu.memory_space<semaphore_mem>>) src(%dma_wait3A_27 : memref<10000x96xf32, #tpu.memory_space<vmem_shared>>) dst(%arg11 : memref<128x96xf32, #tpu.memory_space<vmem>>)
      %dma_start3A_28 = arith.constant 0 : i32
      %dma_start3A_29 = tpu.memref_slice %arg10[%dma_start3A_28] : memref<528xf32, #tpu.memory_space<vmem>> -> memref<512xf32, #tpu.memory_space<vmem>>
      %dma_start3A_30 = arith.constant 0 : i32
      %dma_start3A_31 = arith.constant 0 : i32
      %dma_start3A_32 = tpu.memref_slice %arg5[%add3A, %dma_start3A_30, %dma_start3A_31] : memref<32x80x512xf32, #tpu.memory_space<hbm>> -> memref<1x80x512xf32, #tpu.memory_space<hbm>>
      %dma_start3A_33 = tpu.memref_squeeze %dma_start3A_32 : memref<1x80x512xf32, #tpu.memory_space<hbm>> -> memref<80x512xf32, #tpu.memory_space<hbm>>
      %dma_start3A_34 = arith.constant 0 : i32
      %dma_start3A_35 = tpu.memref_slice %dma_start3A_33[%scan3A_17, %dma_start3A_34] : memref<80x512xf32, #tpu.memory_space<hbm>> -> memref<1x512xf32, #tpu.memory_space<hbm>>
      %dma_start3A_36 = tpu.memref_squeeze %dma_start3A_35 : memref<1x512xf32, #tpu.memory_space<hbm>> -> memref<512xf32, #tpu.memory_space<hbm>>
      %dma_start3A_37 = arith.constant 0 : i32
      %dma_start3A_38 = tpu.memref_slice %arg10[%dma_start3A_37] : memref<528xf32, #tpu.memory_space<vmem>> -> memref<512xf32, #tpu.memory_space<vmem>>
      %dma_start3A_39 = arith.constant 0 : i32
      %dma_start3A_40 = arith.constant 0 : i32
      %dma_start3A_41 = tpu.memref_slice %arg5[%add3A, %dma_start3A_39, %dma_start3A_40] : memref<32x80x512xf32, #tpu.memory_space<hbm>> -> memref<1x80x512xf32, #tpu.memory_space<hbm>>
      %dma_start3A_42 = tpu.memref_squeeze %dma_start3A_41 : memref<1x80x512xf32, #tpu.memory_space<hbm>> -> memref<80x512xf32, #tpu.memory_space<hbm>>
      %dma_start3A_43 = arith.constant 0 : i32
      %dma_start3A_44 = tpu.memref_slice %dma_start3A_42[%scan3A_17, %dma_start3A_43] : memref<80x512xf32, #tpu.memory_space<hbm>> -> memref<1x512xf32, #tpu.memory_space<hbm>>
      %dma_start3A_45 = tpu.memref_squeeze %dma_start3A_44 : memref<1x512xf32, #tpu.memory_space<hbm>> -> memref<512xf32, #tpu.memory_space<hbm>>
      tpu.enqueue_dma source(%dma_start3A_45 : memref<512xf32, #tpu.memory_space<hbm>>) target(%dma_start3A_38 : memref<512xf32, #tpu.memory_space<vmem>>) target_semaphore(%arg13 : memref<!tpu.dma_semaphore, #tpu.memory_space<semaphore_mem>>)
      %dma_wait3A_46 = arith.constant 0 : i32
      %dma_wait3A_47 = tpu.memref_slice %arg10[%dma_wait3A_46] : memref<528xf32, #tpu.memory_space<vmem>> -> memref<512xf32, #tpu.memory_space<vmem>>
      %dma_wait3A_48 = arith.constant 0 : i32
      %dma_wait3A_49 = arith.constant 0 : i32
      %dma_wait3A_50 = tpu.memref_slice %arg5[%add3A, %dma_wait3A_48, %dma_wait3A_49] : memref<32x80x512xf32, #tpu.memory_space<hbm>> -> memref<1x80x512xf32, #tpu.memory_space<hbm>>
      %dma_wait3A_51 = tpu.memref_squeeze %dma_wait3A_50 : memref<1x80x512xf32, #tpu.memory_space<hbm>> -> memref<80x512xf32, #tpu.memory_space<hbm>>
      %dma_wait3A_52 = arith.constant 0 : i32
      %dma_wait3A_53 = tpu.memref_slice %dma_wait3A_51[%scan3A_17, %dma_wait3A_52] : memref<80x512xf32, #tpu.memory_space<hbm>> -> memref<1x512xf32, #tpu.memory_space<hbm>>
      %dma_wait3A_54 = tpu.memref_squeeze %dma_wait3A_53 : memref<1x512xf32, #tpu.memory_space<hbm>> -> memref<512xf32, #tpu.memory_space<hbm>>
      %dma_wait3A_55 = arith.constant 0 : i32
      %dma_wait3A_56 = tpu.memref_slice %arg10[%dma_wait3A_55] : memref<528xf32, #tpu.memory_space<vmem>> -> memref<512xf32, #tpu.memory_space<vmem>>
      %dma_wait3A_57 = arith.constant 0 : i32
      %dma_wait3A_58 = arith.constant 0 : i32
      %dma_wait3A_59 = tpu.memref_slice %arg5[%add3A, %dma_wait3A_57, %dma_wait3A_58] : memref<32x80x512xf32, #tpu.memory_space<hbm>> -> memref<1x80x512xf32, #tpu.memory_space<hbm>>
      %dma_wait3A_60 = tpu.memref_squeeze %dma_wait3A_59 : memref<1x80x512xf32, #tpu.memory_space<hbm>> -> memref<80x512xf32, #tpu.memory_space<hbm>>
      %dma_wait3A_61 = arith.constant 0 : i32
      %dma_wait3A_62 = tpu.memref_slice %dma_wait3A_60[%scan3A_17, %dma_wait3A_61] : memref<80x512xf32, #tpu.memory_space<hbm>> -> memref<1x512xf32, #tpu.memory_space<hbm>>
      %dma_wait3A_63 = tpu.memref_squeeze %dma_wait3A_62 : memref<1x512xf32, #tpu.memory_space<hbm>> -> memref<512xf32, #tpu.memory_space<hbm>>
      tpu.wait_dma2 semaphore(%arg13 : memref<!tpu.dma_semaphore, #tpu.memory_space<semaphore_mem>>) src(%dma_wait3A_63 : memref<512xf32, #tpu.memory_space<hbm>>) dst(%dma_wait3A_56 : memref<512xf32, #tpu.memory_space<vmem>>)
      %mul3A_64 = arith.constant 64 : i32
      %mul3A_65 = arith.muli %scan3A_17, %mul3A_64 : i32
      %get3A = arith.index_cast %mul3A_65 : i32 to index
      %get3A_66 = tpu.vector_load %arg9[%get3A] {strides = array<i32>} : memref<5136xi32, #tpu.memory_space<vmem>>, vector<16xi32>,
      %get3A_67 = vector.shape_cast %get3A_66 : vector<16xi32> to vector<16xi32>
      %slice3A = vector.extract_strided_slice %get3A_67 {offsets = [0], sizes = [1], strides = [1]} : vector<16xi32> to vector<1xi32>
      %squeeze3A = vector.extract %slice3A[0] : i32 from vector<1xi32>
      %add3A_68 = arith.constant 64 : i32
      %add3A_69 = arith.addi %mul3A_65, %add3A_68 : i32
      %sub3A = arith.constant 1 : i32
      %sub3A_70 = arith.subi %add3A_69, %sub3A : i32
      %get3A_71 = arith.index_cast %sub3A_70 : i32 to index
      %get3A_72 = tpu.vector_load %arg9[%get3A_71] {strides = array<i32>} : memref<5136xi32, #tpu.memory_space<vmem>>, vector<16xi32>,
      %get3A_73 = vector.shape_cast %get3A_72 : vector<16xi32> to vector<16xi32>
      %slice3A_74 = vector.extract_strided_slice %get3A_73 {offsets = [0], sizes = [1], strides = [1]} : vector<16xi32> to vector<1xi32>
      %squeeze3A_75 = vector.extract %slice3A_74[0] : i32 from vector<1xi32>
      %eq3A = arith.cmpi eq, %squeeze3A, %squeeze3A_75 : i32
      %convert_element_type3A = arith.extui %eq3A : i1 to i32
      %cond3A = arith.constant 0 : i32
      %cond3A_76 = arith.constant 0 : i32
      %cond3A_77 = arith.cmpi ne, %convert_element_type3A, %cond3A_76 : i32
      %cond3A_78 = scf.if %cond3A_77 -> (i32) {
        %scan3A_79 = arith.constant 0 : i32
        %scan3A_80 = arith.constant 8 : i32
        %scan3A_81 = arith.addi %scan3A_79, %scan3A_80 : i32
        %scan3A_82 = arith.constant 1 : i32
        %scan3A_83:6 = scf.for %scan3A_145 = %scan3A_79 to %scan3A_81 step %scan3A_82 iter_args(%scan3A_146 = %broadcast_in_dim3A_5, %scan3A_147 = %broadcast_in_dim3A_5, %scan3A_148 = %broadcast_in_dim3A_5, %scan3A_149 = %broadcast_in_dim3A_5, %scan3A_150 = %broadcast_in_dim3A_5, %scan3A_151 = %broadcast_in_dim3A_5) -> (vector<16xf32>, vector<16xf32>, vector<16xf32>, vector<16xf32>, vector<16xf32>, vector<16xf32>)  : i32 {
          %mul3A_152 = arith.constant 8 : i32
          %mul3A_153 = arith.muli %scan3A_145, %mul3A_152 : i32
          %add3A_154 = arith.constant 0 : i32
          %add3A_155 = arith.addi %mul3A_153, %add3A_154 : i32
          %mul3A_156 = arith.constant 8 : i32
          %mul3A_157 = arith.muli %add3A_155, %mul3A_156 : i32
          %get3A_158 = arith.index_cast %mul3A_157 : i32 to index
          %get3A_159 = tpu.vector_load %arg10[%get3A_158] {strides = array<i32>} : memref<528xf32, #tpu.memory_space<vmem>>, vector<16xf32>,
          %get3A_160 = vector.shape_cast %get3A_159 : vector<16xf32> to vector<16xf32>
          %mul3A_161 = arith.constant 2 : i32
          %mul3A_162 = arith.muli %mul3A_161, %add3A_155 : i32
          %get3A_163 = arith.index_cast %mul3A_162 : i32 to index
          %get3A_164 = arith.constant 0 : index
          %get3A_165 = tpu.vector_load %arg11[%get3A_163, %get3A_164] {strides = array<i32>} : memref<128x96xf32, #tpu.memory_space<vmem>>, vector<1x16xf32>,
          %get3A_166 = vector.shape_cast %get3A_165 : vector<1x16xf32> to vector<16xf32>
          %mul3A_167 = arith.constant 2 : i32
          %mul3A_168 = arith.muli %mul3A_167, %add3A_155 : i32
          %add3A_169 = arith.constant 1 : i32
          %add3A_170 = arith.addi %mul3A_168, %add3A_169 : i32
          %get3A_171 = arith.index_cast %add3A_170 : i32 to index
          %get3A_172 = arith.constant 0 : index
          %get3A_173 = tpu.vector_load %arg11[%get3A_171, %get3A_172] {strides = array<i32>} : memref<128x96xf32, #tpu.memory_space<vmem>>, vector<1x16xf32>,
          %get3A_174 = vector.shape_cast %get3A_173 : vector<1x16xf32> to vector<16xf32>
          %mul3A_175 = arith.mulf %get3A_166, %get3A_174 : vector<16xf32>
          %slice3A_176 = vector.extract_strided_slice %get3A_160 {offsets = [0], sizes = [1], strides = [1]} : vector<16xf32> to vector<1xf32>
          %squeeze3A_177 = vector.extract %slice3A_176[0] : f32 from vector<1xf32>
          %mul3A_178 = vector.broadcast %squeeze3A_177 : f32 to vector<16xf32>
          %mul3A_179 = arith.mulf %mul3A_175, %mul3A_178 : vector<16xf32>
          %add3A_180 = arith.addf %scan3A_146, %mul3A_179 : vector<16xf32>
          %mul3A_181 = arith.constant 2 : i32
          %mul3A_182 = arith.muli %mul3A_181, %add3A_155 : i32
          %get3A_183 = arith.index_cast %mul3A_182 : i32 to index
          %get3A_184 = arith.constant 16 : index
          %get3A_185 = tpu.vector_load %arg11[%get3A_183, %get3A_184] {strides = array<i32>} : memref<128x96xf32, #tpu.memory_space<vmem>>, vector<1x16xf32>,
          %get3A_186 = vector.shape_cast %get3A_185 : vector<1x16xf32> to vector<16xf32>
          %mul3A_187 = arith.constant 2 : i32
          %mul3A_188 = arith.muli %mul3A_187, %add3A_155 : i32
          %add3A_189 = arith.constant 1 : i32
          %add3A_190 = arith.addi %mul3A_188, %add3A_189 : i32
          %get3A_191 = arith.index_cast %add3A_190 : i32 to index
          %get3A_192 = arith.constant 16 : index
          %get3A_193 = tpu.vector_load %arg11[%get3A_191, %get3A_192] {strides = array<i32>} : memref<128x96xf32, #tpu.memory_space<vmem>>, vector<1x16xf32>,
          %get3A_194 = vector.shape_cast %get3A_193 : vector<1x16xf32> to vector<16xf32>
          %mul3A_195 = arith.mulf %get3A_186, %get3A_194 : vector<16xf32>
          %slice3A_196 = vector.extract_strided_slice %get3A_160 {offsets = [1], sizes = [1], strides = [1]} : vector<16xf32> to vector<1xf32>
          %squeeze3A_197 = vector.extract %slice3A_196[0] : f32 from vector<1xf32>
          %mul3A_198 = vector.broadcast %squeeze3A_197 : f32 to vector<16xf32>
          %mul3A_199 = arith.mulf %mul3A_195, %mul3A_198 : vector<16xf32>
          %add3A_200 = arith.addf %scan3A_147, %mul3A_199 : vector<16xf32>
          %mul3A_201 = arith.constant 2 : i32
          %mul3A_202 = arith.muli %mul3A_201, %add3A_155 : i32
          %get3A_203 = arith.index_cast %mul3A_202 : i32 to index
          %get3A_204 = arith.constant 32 : index
          %get3A_205 = tpu.vector_load %arg11[%get3A_203, %get3A_204] {strides = array<i32>} : memref<128x96xf32, #tpu.memory_space<vmem>>, vector<1x16xf32>,
          %get3A_206 = vector.shape_cast %get3A_205 : vector<1x16xf32> to vector<16xf32>
          %mul3A_207 = arith.constant 2 : i32
          %mul3A_208 = arith.muli %mul3A_207, %add3A_155 : i32
          %add3A_209 = arith.constant 1 : i32
          %add3A_210 = arith.addi %mul3A_208, %add3A_209 : i32
          %get3A_211 = arith.index_cast %add3A_210 : i32 to index
          %get3A_212 = arith.constant 32 : index
          %get3A_213 = tpu.vector_load %arg11[%get3A_211, %get3A_212] {strides = array<i32>} : memref<128x96xf32, #tpu.memory_space<vmem>>, vector<1x16xf32>,
          %get3A_214 = vector.shape_cast %get3A_213 : vector<1x16xf32> to vector<16xf32>
          %mul3A_215 = arith.mulf %get3A_206, %get3A_214 : vector<16xf32>
          %slice3A_216 = vector.extract_strided_slice %get3A_160 {offsets = [2], sizes = [1], strides = [1]} : vector<16xf32> to vector<1xf32>
          %squeeze3A_217 = vector.extract %slice3A_216[0] : f32 from vector<1xf32>
          %mul3A_218 = vector.broadcast %squeeze3A_217 : f32 to vector<16xf32>
          %mul3A_219 = arith.mulf %mul3A_215, %mul3A_218 : vector<16xf32>
          %add3A_220 = arith.addf %scan3A_148, %mul3A_219 : vector<16xf32>
          %mul3A_221 = arith.constant 2 : i32
          %mul3A_222 = arith.muli %mul3A_221, %add3A_155 : i32
          %get3A_223 = arith.index_cast %mul3A_222 : i32 to index
          %get3A_224 = arith.constant 48 : index
          %get3A_225 = tpu.vector_load %arg11[%get3A_223, %get3A_224] {strides = array<i32>} : memref<128x96xf32, #tpu.memory_space<vmem>>, vector<1x16xf32>,
          %get3A_226 = vector.shape_cast %get3A_225 : vector<1x16xf32> to vector<16xf32>
          %mul3A_227 = arith.constant 2 : i32
          %mul3A_228 = arith.muli %mul3A_227, %add3A_155 : i32
          %add3A_229 = arith.constant 1 : i32
          %add3A_230 = arith.addi %mul3A_228, %add3A_229 : i32
          %get3A_231 = arith.index_cast %add3A_230 : i32 to index
          %get3A_232 = arith.constant 48 : index
          %get3A_233 = tpu.vector_load %arg11[%get3A_231, %get3A_232] {strides = array<i32>} : memref<128x96xf32, #tpu.memory_space<vmem>>, vector<1x16xf32>,
          %get3A_234 = vector.shape_cast %get3A_233 : vector<1x16xf32> to vector<16xf32>
          %mul3A_235 = arith.mulf %get3A_226, %get3A_234 : vector<16xf32>
          %slice3A_236 = vector.extract_strided_slice %get3A_160 {offsets = [3], sizes = [1], strides = [1]} : vector<16xf32> to vector<1xf32>
          %squeeze3A_237 = vector.extract %slice3A_236[0] : f32 from vector<1xf32>
          %mul3A_238 = vector.broadcast %squeeze3A_237 : f32 to vector<16xf32>
          %mul3A_239 = arith.mulf %mul3A_235, %mul3A_238 : vector<16xf32>
          %add3A_240 = arith.addf %scan3A_149, %mul3A_239 : vector<16xf32>
          %mul3A_241 = arith.constant 2 : i32
          %mul3A_242 = arith.muli %mul3A_241, %add3A_155 : i32
          %get3A_243 = arith.index_cast %mul3A_242 : i32 to index
          %get3A_244 = arith.constant 64 : index
          %get3A_245 = tpu.vector_load %arg11[%get3A_243, %get3A_244] {strides = array<i32>} : memref<128x96xf32, #tpu.memory_space<vmem>>, vector<1x16xf32>,
          %get3A_246 = vector.shape_cast %get3A_245 : vector<1x16xf32> to vector<16xf32>
          %mul3A_247 = arith.constant 2 : i32
          %mul3A_248 = arith.muli %mul3A_247, %add3A_155 : i32
          %add3A_249 = arith.constant 1 : i32
          %add3A_250 = arith.addi %mul3A_248, %add3A_249 : i32
          %get3A_251 = arith.index_cast %add3A_250 : i32 to index
          %get3A_252 = arith.constant 64 : index
          %get3A_253 = tpu.vector_load %arg11[%get3A_251, %get3A_252] {strides = array<i32>} : memref<128x96xf32, #tpu.memory_space<vmem>>, vector<1x16xf32>,
          %get3A_254 = vector.shape_cast %get3A_253 : vector<1x16xf32> to vector<16xf32>
          %mul3A_255 = arith.mulf %get3A_246, %get3A_254 : vector<16xf32>
          %slice3A_256 = vector.extract_strided_slice %get3A_160 {offsets = [4], sizes = [1], strides = [1]} : vector<16xf32> to vector<1xf32>
          %squeeze3A_257 = vector.extract %slice3A_256[0] : f32 from vector<1xf32>
          %mul3A_258 = vector.broadcast %squeeze3A_257 : f32 to vector<16xf32>
          %mul3A_259 = arith.mulf %mul3A_255, %mul3A_258 : vector<16xf32>
          %add3A_260 = arith.addf %scan3A_150, %mul3A_259 : vector<16xf32>
          %mul3A_261 = arith.constant 2 : i32
          %mul3A_262 = arith.muli %mul3A_261, %add3A_155 : i32
          %get3A_263 = arith.index_cast %mul3A_262 : i32 to index
          %get3A_264 = arith.constant 80 : index
          %get3A_265 = tpu.vector_load %arg11[%get3A_263, %get3A_264] {strides = array<i32>} : memref<128x96xf32, #tpu.memory_space<vmem>>, vector<1x16xf32>,
          %get3A_266 = vector.shape_cast %get3A_265 : vector<1x16xf32> to vector<16xf32>
          %mul3A_267 = arith.constant 2 : i32
          %mul3A_268 = arith.muli %mul3A_267, %add3A_155 : i32
          %add3A_269 = arith.constant 1 : i32
          %add3A_270 = arith.addi %mul3A_268, %add3A_269 : i32
          %get3A_271 = arith.index_cast %add3A_270 : i32 to index
          %get3A_272 = arith.constant 80 : index
          %get3A_273 = tpu.vector_load %arg11[%get3A_271, %get3A_272] {strides = array<i32>} : memref<128x96xf32, #tpu.memory_space<vmem>>, vector<1x16xf32>,
          %get3A_274 = vector.shape_cast %get3A_273 : vector<1x16xf32> to vector<16xf32>
          %mul3A_275 = arith.mulf %get3A_266, %get3A_274 : vector<16xf32>
          %slice3A_276 = vector.extract_strided_slice %get3A_160 {offsets = [5], sizes = [1], strides = [1]} : vector<16xf32> to vector<1xf32>
          %squeeze3A_277 = vector.extract %slice3A_276[0] : f32 from vector<1xf32>
          %mul3A_278 = vector.broadcast %squeeze3A_277 : f32 to vector<16xf32>
          %mul3A_279 = arith.mulf %mul3A_275, %mul3A_278 : vector<16xf32>
          %add3A_280 = arith.addf %scan3A_151, %mul3A_279 : vector<16xf32>
          %mul3A_281 = arith.constant 8 : i32
          %mul3A_282 = arith.muli %scan3A_145, %mul3A_281 : i32
          %add3A_283 = arith.constant 1 : i32
          %add3A_284 = arith.addi %mul3A_282, %add3A_283 : i32
          %mul3A_285 = arith.constant 8 : i32
          %mul3A_286 = arith.muli %add3A_284, %mul3A_285 : i32
          %get3A_287 = arith.index_cast %mul3A_286 : i32 to index
          %get3A_288 = tpu.vector_load %arg10[%get3A_287] {strides = array<i32>} : memref<528xf32, #tpu.memory_space<vmem>>, vector<16xf32>,
          %get3A_289 = vector.shape_cast %get3A_288 : vector<16xf32> to vector<16xf32>
          %mul3A_290 = arith.constant 2 : i32
          %mul3A_291 = arith.muli %mul3A_290, %add3A_284 : i32
          %get3A_292 = arith.index_cast %mul3A_291 : i32 to index
          %get3A_293 = arith.constant 0 : index
          %get3A_294 = tpu.vector_load %arg11[%get3A_292, %get3A_293] {strides = array<i32>} : memref<128x96xf32, #tpu.memory_space<vmem>>, vector<1x16xf32>,
          %get3A_295 = vector.shape_cast %get3A_294 : vector<1x16xf32> to vector<16xf32>
          %mul3A_296 = arith.constant 2 : i32
          %mul3A_297 = arith.muli %mul3A_296, %add3A_284 : i32
          %add3A_298 = arith.constant 1 : i32
          %add3A_299 = arith.addi %mul3A_297, %add3A_298 : i32
          %get3A_300 = arith.index_cast %add3A_299 : i32 to index
          %get3A_301 = arith.constant 0 : index
          %get3A_302 = tpu.vector_load %arg11[%get3A_300, %get3A_301] {strides = array<i32>} : memref<128x96xf32, #tpu.memory_space<vmem>>, vector<1x16xf32>,
          %get3A_303 = vector.shape_cast %get3A_302 : vector<1x16xf32> to vector<16xf32>
          %mul3A_304 = arith.mulf %get3A_295, %get3A_303 : vector<16xf32>
          %slice3A_305 = vector.extract_strided_slice %get3A_289 {offsets = [0], sizes = [1], strides = [1]} : vector<16xf32> to vector<1xf32>
          %squeeze3A_306 = vector.extract %slice3A_305[0] : f32 from vector<1xf32>
          %mul3A_307 = vector.broadcast %squeeze3A_306 : f32 to vector<16xf32>
          %mul3A_308 = arith.mulf %mul3A_304, %mul3A_307 : vector<16xf32>
          %add3A_309 = arith.addf %add3A_180, %mul3A_308 : vector<16xf32>
          %mul3A_310 = arith.constant 2 : i32
          %mul3A_311 = arith.muli %mul3A_310, %add3A_284 : i32
          %get3A_312 = arith.index_cast %mul3A_311 : i32 to index
          %get3A_313 = arith.constant 16 : index
          %get3A_314 = tpu.vector_load %arg11[%get3A_312, %get3A_313] {strides = array<i32>} : memref<128x96xf32, #tpu.memory_space<vmem>>, vector<1x16xf32>,
          %get3A_315 = vector.shape_cast %get3A_314 : vector<1x16xf32> to vector<16xf32>
          %mul3A_316 = arith.constant 2 : i32
          %mul3A_317 = arith.muli %mul3A_316, %add3A_284 : i32
          %add3A_318 = arith.constant 1 : i32
          %add3A_319 = arith.addi %mul3A_317, %add3A_318 : i32
          %get3A_320 = arith.index_cast %add3A_319 : i32 to index
          %get3A_321 = arith.constant 16 : index
          %get3A_322 = tpu.vector_load %arg11[%get3A_320, %get3A_321] {strides = array<i32>} : memref<128x96xf32, #tpu.memory_space<vmem>>, vector<1x16xf32>,
          %get3A_323 = vector.shape_cast %get3A_322 : vector<1x16xf32> to vector<16xf32>
          %mul3A_324 = arith.mulf %get3A_315, %get3A_323 : vector<16xf32>
          %slice3A_325 = vector.extract_strided_slice %get3A_289 {offsets = [1], sizes = [1], strides = [1]} : vector<16xf32> to vector<1xf32>
          %squeeze3A_326 = vector.extract %slice3A_325[0] : f32 from vector<1xf32>
          %mul3A_327 = vector.broadcast %squeeze3A_326 : f32 to vector<16xf32>
          %mul3A_328 = arith.mulf %mul3A_324, %mul3A_327 : vector<16xf32>
          %add3A_329 = arith.addf %add3A_200, %mul3A_328 : vector<16xf32>
          %mul3A_330 = arith.constant 2 : i32
          %mul3A_331 = arith.muli %mul3A_330, %add3A_284 : i32
          %get3A_332 = arith.index_cast %mul3A_331 : i32 to index
          %get3A_333 = arith.constant 32 : index
          %get3A_334 = tpu.vector_load %arg11[%get3A_332, %get3A_333] {strides = array<i32>} : memref<128x96xf32, #tpu.memory_space<vmem>>, vector<1x16xf32>,
          %get3A_335 = vector.shape_cast %get3A_334 : vector<1x16xf32> to vector<16xf32>
          %mul3A_336 = arith.constant 2 : i32
          %mul3A_337 = arith.muli %mul3A_336, %add3A_284 : i32
          %add3A_338 = arith.constant 1 : i32
          %add3A_339 = arith.addi %mul3A_337, %add3A_338 : i32
          %get3A_340 = arith.index_cast %add3A_339 : i32 to index
          %get3A_341 = arith.constant 32 : index
          %get3A_342 = tpu.vector_load %arg11[%get3A_340, %get3A_341] {strides = array<i32>} : memref<128x96xf32, #tpu.memory_space<vmem>>, vector<1x16xf32>,
          %get3A_343 = vector.shape_cast %get3A_342 : vector<1x16xf32> to vector<16xf32>
          %mul3A_344 = arith.mulf %get3A_335, %get3A_343 : vector<16xf32>
          %slice3A_345 = vector.extract_strided_slice %get3A_289 {offsets = [2], sizes = [1], strides = [1]} : vector<16xf32> to vector<1xf32>
          %squeeze3A_346 = vector.extract %slice3A_345[0] : f32 from vector<1xf32>
          %mul3A_347 = vector.broadcast %squeeze3A_346 : f32 to vector<16xf32>
          %mul3A_348 = arith.mulf %mul3A_344, %mul3A_347 : vector<16xf32>
          %add3A_349 = arith.addf %add3A_220, %mul3A_348 : vector<16xf32>
          %mul3A_350 = arith.constant 2 : i32
          %mul3A_351 = arith.muli %mul3A_350, %add3A_284 : i32
          %get3A_352 = arith.index_cast %mul3A_351 : i32 to index
          %get3A_353 = arith.constant 48 : index
          %get3A_354 = tpu.vector_load %arg11[%get3A_352, %get3A_353] {strides = array<i32>} : memref<128x96xf32, #tpu.memory_space<vmem>>, vector<1x16xf32>,
          %get3A_355 = vector.shape_cast %get3A_354 : vector<1x16xf32> to vector<16xf32>
          %mul3A_356 = arith.constant 2 : i32
          %mul3A_357 = arith.muli %mul3A_356, %add3A_284 : i32
          %add3A_358 = arith.constant 1 : i32
          %add3A_359 = arith.addi %mul3A_357, %add3A_358 : i32
          %get3A_360 = arith.index_cast %add3A_359 : i32 to index
          %get3A_361 = arith.constant 48 : index
          %get3A_362 = tpu.vector_load %arg11[%get3A_360, %get3A_361] {strides = array<i32>} : memref<128x96xf32, #tpu.memory_space<vmem>>, vector<1x16xf32>,
          %get3A_363 = vector.shape_cast %get3A_362 : vector<1x16xf32> to vector<16xf32>
          %mul3A_364 = arith.mulf %get3A_355, %get3A_363 : vector<16xf32>
          %slice3A_365 = vector.extract_strided_slice %get3A_289 {offsets = [3], sizes = [1], strides = [1]} : vector<16xf32> to vector<1xf32>
          %squeeze3A_366 = vector.extract %slice3A_365[0] : f32 from vector<1xf32>
          %mul3A_367 = vector.broadcast %squeeze3A_366 : f32 to vector<16xf32>
          %mul3A_368 = arith.mulf %mul3A_364, %mul3A_367 : vector<16xf32>
          %add3A_369 = arith.addf %add3A_240, %mul3A_368 : vector<16xf32>
          %mul3A_370 = arith.constant 2 : i32
          %mul3A_371 = arith.muli %mul3A_370, %add3A_284 : i32
          %get3A_372 = arith.index_cast %mul3A_371 : i32 to index
          %get3A_373 = arith.constant 64 : index
          %get3A_374 = tpu.vector_load %arg11[%get3A_372, %get3A_373] {strides = array<i32>} : memref<128x96xf32, #tpu.memory_space<vmem>>, vector<1x16xf32>,
          %get3A_375 = vector.shape_cast %get3A_374 : vector<1x16xf32> to vector<16xf32>
          %mul3A_376 = arith.constant 2 : i32
          %mul3A_377 = arith.muli %mul3A_376, %add3A_284 : i32
          %add3A_378 = arith.constant 1 : i32
          %add3A_379 = arith.addi %mul3A_377, %add3A_378 : i32
          %get3A_380 = arith.index_cast %add3A_379 : i32 to index
          %get3A_381 = arith.constant 64 : index
          %get3A_382 = tpu.vector_load %arg11[%get3A_380, %get3A_381] {strides = array<i32>} : memref<128x96xf32, #tpu.memory_space<vmem>>, vector<1x16xf32>,
          %get3A_383 = vector.shape_cast %get3A_382 : vector<1x16xf32> to vector<16xf32>
          %mul3A_384 = arith.mulf %get3A_375, %get3A_383 : vector<16xf32>
          %slice3A_385 = vector.extract_strided_slice %get3A_289 {offsets = [4], sizes = [1], strides = [1]} : vector<16xf32> to vector<1xf32>
          %squeeze3A_386 = vector.extract %slice3A_385[0] : f32 from vector<1xf32>
          %mul3A_387 = vector.broadcast %squeeze3A_386 : f32 to vector<16xf32>
          %mul3A_388 = arith.mulf %mul3A_384, %mul3A_387 : vector<16xf32>
          %add3A_389 = arith.addf %add3A_260, %mul3A_388 : vector<16xf32>
          %mul3A_390 = arith.constant 2 : i32
          %mul3A_391 = arith.muli %mul3A_390, %add3A_284 : i32
          %get3A_392 = arith.index_cast %mul3A_391 : i32 to index
          %get3A_393 = arith.constant 80 : index
          %get3A_394 = tpu.vector_load %arg11[%get3A_392, %get3A_393] {strides = array<i32>} : memref<128x96xf32, #tpu.memory_space<vmem>>, vector<1x16xf32>,
          %get3A_395 = vector.shape_cast %get3A_394 : vector<1x16xf32> to vector<16xf32>
          %mul3A_396 = arith.constant 2 : i32
          %mul3A_397 = arith.muli %mul3A_396, %add3A_284 : i32
          %add3A_398 = arith.constant 1 : i32
          %add3A_399 = arith.addi %mul3A_397, %add3A_398 : i32
          %get3A_400 = arith.index_cast %add3A_399 : i32 to index
          %get3A_401 = arith.constant 80 : index
          %get3A_402 = tpu.vector_load %arg11[%get3A_400, %get3A_401] {strides = array<i32>} : memref<128x96xf32, #tpu.memory_space<vmem>>, vector<1x16xf32>,
          %get3A_403 = vector.shape_cast %get3A_402 : vector<1x16xf32> to vector<16xf32>
          %mul3A_404 = arith.mulf %get3A_395, %get3A_403 : vector<16xf32>
          %slice3A_405 = vector.extract_strided_slice %get3A_289 {offsets = [5], sizes = [1], strides = [1]} : vector<16xf32> to vector<1xf32>
          %squeeze3A_406 = vector.extract %slice3A_405[0] : f32 from vector<1xf32>
          %mul3A_407 = vector.broadcast %squeeze3A_406 : f32 to vector<16xf32>
          %mul3A_408 = arith.mulf %mul3A_404, %mul3A_407 : vector<16xf32>
          %add3A_409 = arith.addf %add3A_280, %mul3A_408 : vector<16xf32>
          %mul3A_410 = arith.constant 8 : i32
          %mul3A_411 = arith.muli %scan3A_145, %mul3A_410 : i32
          %add3A_412 = arith.constant 2 : i32
          %add3A_413 = arith.addi %mul3A_411, %add3A_412 : i32
          %mul3A_414 = arith.constant 8 : i32
          %mul3A_415 = arith.muli %add3A_413, %mul3A_414 : i32
          %get3A_416 = arith.index_cast %mul3A_415 : i32 to index
          %get3A_417 = tpu.vector_load %arg10[%get3A_416] {strides = array<i32>} : memref<528xf32, #tpu.memory_space<vmem>>, vector<16xf32>,
          %get3A_418 = vector.shape_cast %get3A_417 : vector<16xf32> to vector<16xf32>
          %mul3A_419 = arith.constant 2 : i32
          %mul3A_420 = arith.muli %mul3A_419, %add3A_413 : i32
          %get3A_421 = arith.index_cast %mul3A_420 : i32 to index
          %get3A_422 = arith.constant 0 : index
          %get3A_423 = tpu.vector_load %arg11[%get3A_421, %get3A_422] {strides = array<i32>} : memref<128x96xf32, #tpu.memory_space<vmem>>, vector<1x16xf32>,
          %get3A_424 = vector.shape_cast %get3A_423 : vector<1x16xf32> to vector<16xf32>
          %mul3A_425 = arith.constant 2 : i32
          %mul3A_426 = arith.muli %mul3A_425, %add3A_413 : i32
          %add3A_427 = arith.constant 1 : i32
          %add3A_428 = arith.addi %mul3A_426, %add3A_427 : i32
          %get3A_429 = arith.index_cast %add3A_428 : i32 to index
          %get3A_430 = arith.constant 0 : index
          %get3A_431 = tpu.vector_load %arg11[%get3A_429, %get3A_430] {strides = array<i32>} : memref<128x96xf32, #tpu.memory_space<vmem>>, vector<1x16xf32>,
          %get3A_432 = vector.shape_cast %get3A_431 : vector<1x16xf32> to vector<16xf32>
          %mul3A_433 = arith.mulf %get3A_424, %get3A_432 : vector<16xf32>
          %slice3A_434 = vector.extract_strided_slice %get3A_418 {offsets = [0], sizes = [1], strides = [1]} : vector<16xf32> to vector<1xf32>
          %squeeze3A_435 = vector.extract %slice3A_434[0] : f32 from vector<1xf32>
          %mul3A_436 = vector.broadcast %squeeze3A_435 : f32 to vector<16xf32>
          %mul3A_437 = arith.mulf %mul3A_433, %mul3A_436 : vector<16xf32>
          %add3A_438 = arith.addf %add3A_309, %mul3A_437 : vector<16xf32>
          %mul3A_439 = arith.constant 2 : i32
          %mul3A_440 = arith.muli %mul3A_439, %add3A_413 : i32
          %get3A_441 = arith.index_cast %mul3A_440 : i32 to index
          %get3A_442 = arith.constant 16 : index
          %get3A_443 = tpu.vector_load %arg11[%get3A_441, %get3A_442] {strides = array<i32>} : memref<128x96xf32, #tpu.memory_space<vmem>>, vector<1x16xf32>,
          %get3A_444 = vector.shape_cast %get3A_443 : vector<1x16xf32> to vector<16xf32>
          %mul3A_445 = arith.constant 2 : i32
          %mul3A_446 = arith.muli %mul3A_445, %add3A_413 : i32
          %add3A_447 = arith.constant 1 : i32
          %add3A_448 = arith.addi %mul3A_446, %add3A_447 : i32
          %get3A_449 = arith.index_cast %add3A_448 : i32 to index
          %get3A_450 = arith.constant 16 : index
          %get3A_451 = tpu.vector_load %arg11[%get3A_449, %get3A_450] {strides = array<i32>} : memref<128x96xf32, #tpu.memory_space<vmem>>, vector<1x16xf32>,
          %get3A_452 = vector.shape_cast %get3A_451 : vector<1x16xf32> to vector<16xf32>
          %mul3A_453 = arith.mulf %get3A_444, %get3A_452 : vector<16xf32>
          %slice3A_454 = vector.extract_strided_slice %get3A_418 {offsets = [1], sizes = [1], strides = [1]} : vector<16xf32> to vector<1xf32>
          %squeeze3A_455 = vector.extract %slice3A_454[0] : f32 from vector<1xf32>
          %mul3A_456 = vector.broadcast %squeeze3A_455 : f32 to vector<16xf32>
          %mul3A_457 = arith.mulf %mul3A_453, %mul3A_456 : vector<16xf32>
          %add3A_458 = arith.addf %add3A_329, %mul3A_457 : vector<16xf32>
          %mul3A_459 = arith.constant 2 : i32
          %mul3A_460 = arith.muli %mul3A_459, %add3A_413 : i32
          %get3A_461 = arith.index_cast %mul3A_460 : i32 to index
          %get3A_462 = arith.constant 32 : index
          %get3A_463 = tpu.vector_load %arg11[%get3A_461, %get3A_462] {strides = array<i32>} : memref<128x96xf32, #tpu.memory_space<vmem>>, vector<1x16xf32>,
          %get3A_464 = vector.shape_cast %get3A_463 : vector<1x16xf32> to vector<16xf32>
          %mul3A_465 = arith.constant 2 : i32
          %mul3A_466 = arith.muli %mul3A_465, %add3A_413 : i32
          %add3A_467 = arith.constant 1 : i32
          %add3A_468 = arith.addi %mul3A_466, %add3A_467 : i32
          %get3A_469 = arith.index_cast %add3A_468 : i32 to index
          %get3A_470 = arith.constant 32 : index
          %get3A_471 = tpu.vector_load %arg11[%get3A_469, %get3A_470] {strides = array<i32>} : memref<128x96xf32, #tpu.memory_space<vmem>>, vector<1x16xf32>,
          %get3A_472 = vector.shape_cast %get3A_471 : vector<1x16xf32> to vector<16xf32>
          %mul3A_473 = arith.mulf %get3A_464, %get3A_472 : vector<16xf32>
          %slice3A_474 = vector.extract_strided_slice %get3A_418 {offsets = [2], sizes = [1], strides = [1]} : vector<16xf32> to vector<1xf32>
          %squeeze3A_475 = vector.extract %slice3A_474[0] : f32 from vector<1xf32>
          %mul3A_476 = vector.broadcast %squeeze3A_475 : f32 to vector<16xf32>
          %mul3A_477 = arith.mulf %mul3A_473, %mul3A_476 : vector<16xf32>
          %add3A_478 = arith.addf %add3A_349, %mul3A_477 : vector<16xf32>
          %mul3A_479 = arith.constant 2 : i32
          %mul3A_480 = arith.muli %mul3A_479, %add3A_413 : i32
          %get3A_481 = arith.index_cast %mul3A_480 : i32 to index
          %get3A_482 = arith.constant 48 : index
          %get3A_483 = tpu.vector_load %arg11[%get3A_481, %get3A_482] {strides = array<i32>} : memref<128x96xf32, #tpu.memory_space<vmem>>, vector<1x16xf32>,
          %get3A_484 = vector.shape_cast %get3A_483 : vector<1x16xf32> to vector<16xf32>
          %mul3A_485 = arith.constant 2 : i32
          %mul3A_486 = arith.muli %mul3A_485, %add3A_413 : i32
          %add3A_487 = arith.constant 1 : i32
          %add3A_488 = arith.addi %mul3A_486, %add3A_487 : i32
          %get3A_489 = arith.index_cast %add3A_488 : i32 to index
          %get3A_490 = arith.constant 48 : index
          %get3A_491 = tpu.vector_load %arg11[%get3A_489, %get3A_490] {strides = array<i32>} : memref<128x96xf32, #tpu.memory_space<vmem>>, vector<1x16xf32>,
          %get3A_492 = vector.shape_cast %get3A_491 : vector<1x16xf32> to vector<16xf32>
          %mul3A_493 = arith.mulf %get3A_484, %get3A_492 : vector<16xf32>
          %slice3A_494 = vector.extract_strided_slice %get3A_418 {offsets = [3], sizes = [1], strides = [1]} : vector<16xf32> to vector<1xf32>
          %squeeze3A_495 = vector.extract %slice3A_494[0] : f32 from vector<1xf32>
          %mul3A_496 = vector.broadcast %squeeze3A_495 : f32 to vector<16xf32>
          %mul3A_497 = arith.mulf %mul3A_493, %mul3A_496 : vector<16xf32>
          %add3A_498 = arith.addf %add3A_369, %mul3A_497 : vector<16xf32>
          %mul3A_499 = arith.constant 2 : i32
          %mul3A_500 = arith.muli %mul3A_499, %add3A_413 : i32
          %get3A_501 = arith.index_cast %mul3A_500 : i32 to index
          %get3A_502 = arith.constant 64 : index
          %get3A_503 = tpu.vector_load %arg11[%get3A_501, %get3A_502] {strides = array<i32>} : memref<128x96xf32, #tpu.memory_space<vmem>>, vector<1x16xf32>,
          %get3A_504 = vector.shape_cast %get3A_503 : vector<1x16xf32> to vector<16xf32>
          %mul3A_505 = arith.constant 2 : i32
          %mul3A_506 = arith.muli %mul3A_505, %add3A_413 : i32
          %add3A_507 = arith.constant 1 : i32
          %add3A_508 = arith.addi %mul3A_506, %add3A_507 : i32
          %get3A_509 = arith.index_cast %add3A_508 : i32 to index
          %get3A_510 = arith.constant 64 : index
          %get3A_511 = tpu.vector_load %arg11[%get3A_509, %get3A_510] {strides = array<i32>} : memref<128x96xf32, #tpu.memory_space<vmem>>, vector<1x16xf32>,
          %get3A_512 = vector.shape_cast %get3A_511 : vector<1x16xf32> to vector<16xf32>
          %mul3A_513 = arith.mulf %get3A_504, %get3A_512 : vector<16xf32>
          %slice3A_514 = vector.extract_strided_slice %get3A_418 {offsets = [4], sizes = [1], strides = [1]} : vector<16xf32> to vector<1xf32>
          %squeeze3A_515 = vector.extract %slice3A_514[0] : f32 from vector<1xf32>
          %mul3A_516 = vector.broadcast %squeeze3A_515 : f32 to vector<16xf32>
          %mul3A_517 = arith.mulf %mul3A_513, %mul3A_516 : vector<16xf32>
          %add3A_518 = arith.addf %add3A_389, %mul3A_517 : vector<16xf32>
          %mul3A_519 = arith.constant 2 : i32
          %mul3A_520 = arith.muli %mul3A_519, %add3A_413 : i32
          %get3A_521 = arith.index_cast %mul3A_520 : i32 to index
          %get3A_522 = arith.constant 80 : index
          %get3A_523 = tpu.vector_load %arg11[%get3A_521, %get3A_522] {strides = array<i32>} : memref<128x96xf32, #tpu.memory_space<vmem>>, vector<1x16xf32>,
          %get3A_524 = vector.shape_cast %get3A_523 : vector<1x16xf32> to vector<16xf32>
          %mul3A_525 = arith.constant 2 : i32
          %mul3A_526 = arith.muli %mul3A_525, %add3A_413 : i32
          %add3A_527 = arith.constant 1 : i32
          %add3A_528 = arith.addi %mul3A_526, %add3A_527 : i32
          %get3A_529 = arith.index_cast %add3A_528 : i32 to index
          %get3A_530 = arith.constant 80 : index
          %get3A_531 = tpu.vector_load %arg11[%get3A_529, %get3A_530] {strides = array<i32>} : memref<128x96xf32, #tpu.memory_space<vmem>>, vector<1x16xf32>,
          %get3A_532 = vector.shape_cast %get3A_531 : vector<1x16xf32> to vector<16xf32>
          %mul3A_533 = arith.mulf %get3A_524, %get3A_532 : vector<16xf32>
          %slice3A_534 = vector.extract_strided_slice %get3A_418 {offsets = [5], sizes = [1], strides = [1]} : vector<16xf32> to vector<1xf32>
          %squeeze3A_535 = vector.extract %slice3A_534[0] : f32 from vector<1xf32>
          %mul3A_536 = vector.broadcast %squeeze3A_535 : f32 to vector<16xf32>
          %mul3A_537 = arith.mulf %mul3A_533, %mul3A_536 : vector<16xf32>
          %add3A_538 = arith.addf %add3A_409, %mul3A_537 : vector<16xf32>
          %mul3A_539 = arith.constant 8 : i32
          %mul3A_540 = arith.muli %scan3A_145, %mul3A_539 : i32
          %add3A_541 = arith.constant 3 : i32
          %add3A_542 = arith.addi %mul3A_540, %add3A_541 : i32
          %mul3A_543 = arith.constant 8 : i32
          %mul3A_544 = arith.muli %add3A_542, %mul3A_543 : i32
          %get3A_545 = arith.index_cast %mul3A_544 : i32 to index
          %get3A_546 = tpu.vector_load %arg10[%get3A_545] {strides = array<i32>} : memref<528xf32, #tpu.memory_space<vmem>>, vector<16xf32>,
          %get3A_547 = vector.shape_cast %get3A_546 : vector<16xf32> to vector<16xf32>
          %mul3A_548 = arith.constant 2 : i32
          %mul3A_549 = arith.muli %mul3A_548, %add3A_542 : i32
          %get3A_550 = arith.index_cast %mul3A_549 : i32 to index
          %get3A_551 = arith.constant 0 : index
          %get3A_552 = tpu.vector_load %arg11[%get3A_550, %get3A_551] {strides = array<i32>} : memref<128x96xf32, #tpu.memory_space<vmem>>, vector<1x16xf32>,
          %get3A_553 = vector.shape_cast %get3A_552 : vector<1x16xf32> to vector<16xf32>
          %mul3A_554 = arith.constant 2 : i32
          %mul3A_555 = arith.muli %mul3A_554, %add3A_542 : i32
          %add3A_556 = arith.constant 1 : i32
          %add3A_557 = arith.addi %mul3A_555, %add3A_556 : i32
          %get3A_558 = arith.index_cast %add3A_557 : i32 to index
          %get3A_559 = arith.constant 0 : index
          %get3A_560 = tpu.vector_load %arg11[%get3A_558, %get3A_559] {strides = array<i32>} : memref<128x96xf32, #tpu.memory_space<vmem>>, vector<1x16xf32>,
          %get3A_561 = vector.shape_cast %get3A_560 : vector<1x16xf32> to vector<16xf32>
          %mul3A_562 = arith.mulf %get3A_553, %get3A_561 : vector<16xf32>
          %slice3A_563 = vector.extract_strided_slice %get3A_547 {offsets = [0], sizes = [1], strides = [1]} : vector<16xf32> to vector<1xf32>
          %squeeze3A_564 = vector.extract %slice3A_563[0] : f32 from vector<1xf32>
          %mul3A_565 = vector.broadcast %squeeze3A_564 : f32 to vector<16xf32>
          %mul3A_566 = arith.mulf %mul3A_562, %mul3A_565 : vector<16xf32>
          %add3A_567 = arith.addf %add3A_438, %mul3A_566 : vector<16xf32>
          %mul3A_568 = arith.constant 2 : i32
          %mul3A_569 = arith.muli %mul3A_568, %add3A_542 : i32
          %get3A_570 = arith.index_cast %mul3A_569 : i32 to index
          %get3A_571 = arith.constant 16 : index
          %get3A_572 = tpu.vector_load %arg11[%get3A_570, %get3A_571] {strides = array<i32>} : memref<128x96xf32, #tpu.memory_space<vmem>>, vector<1x16xf32>,
          %get3A_573 = vector.shape_cast %get3A_572 : vector<1x16xf32> to vector<16xf32>
          %mul3A_574 = arith.constant 2 : i32
          %mul3A_575 = arith.muli %mul3A_574, %add3A_542 : i32
          %add3A_576 = arith.constant 1 : i32
          %add3A_577 = arith.addi %mul3A_575, %add3A_576 : i32
          %get3A_578 = arith.index_cast %add3A_577 : i32 to index
          %get3A_579 = arith.constant 16 : index
          %get3A_580 = tpu.vector_load %arg11[%get3A_578, %get3A_579] {strides = array<i32>} : memref<128x96xf32, #tpu.memory_space<vmem>>, vector<1x16xf32>,
          %get3A_581 = vector.shape_cast %get3A_580 : vector<1x16xf32> to vector<16xf32>
          %mul3A_582 = arith.mulf %get3A_573, %get3A_581 : vector<16xf32>
          %slice3A_583 = vector.extract_strided_slice %get3A_547 {offsets = [1], sizes = [1], strides = [1]} : vector<16xf32> to vector<1xf32>
          %squeeze3A_584 = vector.extract %slice3A_583[0] : f32 from vector<1xf32>
          %mul3A_585 = vector.broadcast %squeeze3A_584 : f32 to vector<16xf32>
          %mul3A_586 = arith.mulf %mul3A_582, %mul3A_585 : vector<16xf32>
          %add3A_587 = arith.addf %add3A_458, %mul3A_586 : vector<16xf32>
          %mul3A_588 = arith.constant 2 : i32
          %mul3A_589 = arith.muli %mul3A_588, %add3A_542 : i32
          %get3A_590 = arith.index_cast %mul3A_589 : i32 to index
          %get3A_591 = arith.constant 32 : index
          %get3A_592 = tpu.vector_load %arg11[%get3A_590, %get3A_591] {strides = array<i32>} : memref<128x96xf32, #tpu.memory_space<vmem>>, vector<1x16xf32>,
          %get3A_593 = vector.shape_cast %get3A_592 : vector<1x16xf32> to vector<16xf32>
          %mul3A_594 = arith.constant 2 : i32
          %mul3A_595 = arith.muli %mul3A_594, %add3A_542 : i32
          %add3A_596 = arith.constant 1 : i32
          %add3A_597 = arith.addi %mul3A_595, %add3A_596 : i32
          %get3A_598 = arith.index_cast %add3A_597 : i32 to index
          %get3A_599 = arith.constant 32 : index
          %get3A_600 = tpu.vector_load %arg11[%get3A_598, %get3A_599] {strides = array<i32>} : memref<128x96xf32, #tpu.memory_space<vmem>>, vector<1x16xf32>,
          %get3A_601 = vector.shape_cast %get3A_600 : vector<1x16xf32> to vector<16xf32>
          %mul3A_602 = arith.mulf %get3A_593, %get3A_601 : vector<16xf32>
          %slice3A_603 = vector.extract_strided_slice %get3A_547 {offsets = [2], sizes = [1], strides = [1]} : vector<16xf32> to vector<1xf32>
          %squeeze3A_604 = vector.extract %slice3A_603[0] : f32 from vector<1xf32>
          %mul3A_605 = vector.broadcast %squeeze3A_604 : f32 to vector<16xf32>
          %mul3A_606 = arith.mulf %mul3A_602, %mul3A_605 : vector<16xf32>
          %add3A_607 = arith.addf %add3A_478, %mul3A_606 : vector<16xf32>
          %mul3A_608 = arith.constant 2 : i32
          %mul3A_609 = arith.muli %mul3A_608, %add3A_542 : i32
          %get3A_610 = arith.index_cast %mul3A_609 : i32 to index
          %get3A_611 = arith.constant 48 : index
          %get3A_612 = tpu.vector_load %arg11[%get3A_610, %get3A_611] {strides = array<i32>} : memref<128x96xf32, #tpu.memory_space<vmem>>, vector<1x16xf32>,
          %get3A_613 = vector.shape_cast %get3A_612 : vector<1x16xf32> to vector<16xf32>
          %mul3A_614 = arith.constant 2 : i32
          %mul3A_615 = arith.muli %mul3A_614, %add3A_542 : i32
          %add3A_616 = arith.constant 1 : i32
          %add3A_617 = arith.addi %mul3A_615, %add3A_616 : i32
          %get3A_618 = arith.index_cast %add3A_617 : i32 to index
          %get3A_619 = arith.constant 48 : index
          %get3A_620 = tpu.vector_load %arg11[%get3A_618, %get3A_619] {strides = array<i32>} : memref<128x96xf32, #tpu.memory_space<vmem>>, vector<1x16xf32>,
          %get3A_621 = vector.shape_cast %get3A_620 : vector<1x16xf32> to vector<16xf32>
          %mul3A_622 = arith.mulf %get3A_613, %get3A_621 : vector<16xf32>
          %slice3A_623 = vector.extract_strided_slice %get3A_547 {offsets = [3], sizes = [1], strides = [1]} : vector<16xf32> to vector<1xf32>
          %squeeze3A_624 = vector.extract %slice3A_623[0] : f32 from vector<1xf32>
          %mul3A_625 = vector.broadcast %squeeze3A_624 : f32 to vector<16xf32>
          %mul3A_626 = arith.mulf %mul3A_622, %mul3A_625 : vector<16xf32>
          %add3A_627 = arith.addf %add3A_498, %mul3A_626 : vector<16xf32>
          %mul3A_628 = arith.constant 2 : i32
          %mul3A_629 = arith.muli %mul3A_628, %add3A_542 : i32
          %get3A_630 = arith.index_cast %mul3A_629 : i32 to index
          %get3A_631 = arith.constant 64 : index
          %get3A_632 = tpu.vector_load %arg11[%get3A_630, %get3A_631] {strides = array<i32>} : memref<128x96xf32, #tpu.memory_space<vmem>>, vector<1x16xf32>,
          %get3A_633 = vector.shape_cast %get3A_632 : vector<1x16xf32> to vector<16xf32>
          %mul3A_634 = arith.constant 2 : i32
          %mul3A_635 = arith.muli %mul3A_634, %add3A_542 : i32
          %add3A_636 = arith.constant 1 : i32
          %add3A_637 = arith.addi %mul3A_635, %add3A_636 : i32
          %get3A_638 = arith.index_cast %add3A_637 : i32 to index
          %get3A_639 = arith.constant 64 : index
          %get3A_640 = tpu.vector_load %arg11[%get3A_638, %get3A_639] {strides = array<i32>} : memref<128x96xf32, #tpu.memory_space<vmem>>, vector<1x16xf32>,
          %get3A_641 = vector.shape_cast %get3A_640 : vector<1x16xf32> to vector<16xf32>
          %mul3A_642 = arith.mulf %get3A_633, %get3A_641 : vector<16xf32>
          %slice3A_643 = vector.extract_strided_slice %get3A_547 {offsets = [4], sizes = [1], strides = [1]} : vector<16xf32> to vector<1xf32>
          %squeeze3A_644 = vector.extract %slice3A_643[0] : f32 from vector<1xf32>
          %mul3A_645 = vector.broadcast %squeeze3A_644 : f32 to vector<16xf32>
          %mul3A_646 = arith.mulf %mul3A_642, %mul3A_645 : vector<16xf32>
          %add3A_647 = arith.addf %add3A_518, %mul3A_646 : vector<16xf32>
          %mul3A_648 = arith.constant 2 : i32
          %mul3A_649 = arith.muli %mul3A_648, %add3A_542 : i32
          %get3A_650 = arith.index_cast %mul3A_649 : i32 to index
          %get3A_651 = arith.constant 80 : index
          %get3A_652 = tpu.vector_load %arg11[%get3A_650, %get3A_651] {strides = array<i32>} : memref<128x96xf32, #tpu.memory_space<vmem>>, vector<1x16xf32>,
          %get3A_653 = vector.shape_cast %get3A_652 : vector<1x16xf32> to vector<16xf32>
          %mul3A_654 = arith.constant 2 : i32
          %mul3A_655 = arith.muli %mul3A_654, %add3A_542 : i32
          %add3A_656 = arith.constant 1 : i32
          %add3A_657 = arith.addi %mul3A_655, %add3A_656 : i32
          %get3A_658 = arith.index_cast %add3A_657 : i32 to index
          %get3A_659 = arith.constant 80 : index
          %get3A_660 = tpu.vector_load %arg11[%get3A_658, %get3A_659] {strides = array<i32>} : memref<128x96xf32, #tpu.memory_space<vmem>>, vector<1x16xf32>,
          %get3A_661 = vector.shape_cast %get3A_660 : vector<1x16xf32> to vector<16xf32>
          %mul3A_662 = arith.mulf %get3A_653, %get3A_661 : vector<16xf32>
          %slice3A_663 = vector.extract_strided_slice %get3A_547 {offsets = [5], sizes = [1], strides = [1]} : vector<16xf32> to vector<1xf32>
          %squeeze3A_664 = vector.extract %slice3A_663[0] : f32 from vector<1xf32>
          %mul3A_665 = vector.broadcast %squeeze3A_664 : f32 to vector<16xf32>
          %mul3A_666 = arith.mulf %mul3A_662, %mul3A_665 : vector<16xf32>
          %add3A_667 = arith.addf %add3A_538, %mul3A_666 : vector<16xf32>
          %mul3A_668 = arith.constant 8 : i32
          %mul3A_669 = arith.muli %scan3A_145, %mul3A_668 : i32
          %add3A_670 = arith.constant 4 : i32
          %add3A_671 = arith.addi %mul3A_669, %add3A_670 : i32
          %mul3A_672 = arith.constant 8 : i32
          %mul3A_673 = arith.muli %add3A_671, %mul3A_672 : i32
          %get3A_674 = arith.index_cast %mul3A_673 : i32 to index
          %get3A_675 = tpu.vector_load %arg10[%get3A_674] {strides = array<i32>} : memref<528xf32, #tpu.memory_space<vmem>>, vector<16xf32>,
          %get3A_676 = vector.shape_cast %get3A_675 : vector<16xf32> to vector<16xf32>
          %mul3A_677 = arith.constant 2 : i32
          %mul3A_678 = arith.muli %mul3A_677, %add3A_671 : i32
          %get3A_679 = arith.index_cast %mul3A_678 : i32 to index
          %get3A_680 = arith.constant 0 : index
          %get3A_681 = tpu.vector_load %arg11[%get3A_679, %get3A_680] {strides = array<i32>} : memref<128x96xf32, #tpu.memory_space<vmem>>, vector<1x16xf32>,
          %get3A_682 = vector.shape_cast %get3A_681 : vector<1x16xf32> to vector<16xf32>
          %mul3A_683 = arith.constant 2 : i32
          %mul3A_684 = arith.muli %mul3A_683, %add3A_671 : i32
          %add3A_685 = arith.constant 1 : i32
          %add3A_686 = arith.addi %mul3A_684, %add3A_685 : i32
          %get3A_687 = arith.index_cast %add3A_686 : i32 to index
          %get3A_688 = arith.constant 0 : index
          %get3A_689 = tpu.vector_load %arg11[%get3A_687, %get3A_688] {strides = array<i32>} : memref<128x96xf32, #tpu.memory_space<vmem>>, vector<1x16xf32>,
          %get3A_690 = vector.shape_cast %get3A_689 : vector<1x16xf32> to vector<16xf32>
          %mul3A_691 = arith.mulf %get3A_682, %get3A_690 : vector<16xf32>
          %slice3A_692 = vector.extract_strided_slice %get3A_676 {offsets = [0], sizes = [1], strides = [1]} : vector<16xf32> to vector<1xf32>
          %squeeze3A_693 = vector.extract %slice3A_692[0] : f32 from vector<1xf32>
          %mul3A_694 = vector.broadcast %squeeze3A_693 : f32 to vector<16xf32>
          %mul3A_695 = arith.mulf %mul3A_691, %mul3A_694 : vector<16xf32>
          %add3A_696 = arith.addf %add3A_567, %mul3A_695 : vector<16xf32>
          %mul3A_697 = arith.constant 2 : i32
          %mul3A_698 = arith.muli %mul3A_697, %add3A_671 : i32
          %get3A_699 = arith.index_cast %mul3A_698 : i32 to index
          %get3A_700 = arith.constant 16 : index
          %get3A_701 = tpu.vector_load %arg11[%get3A_699, %get3A_700] {strides = array<i32>} : memref<128x96xf32, #tpu.memory_space<vmem>>, vector<1x16xf32>,
          %get3A_702 = vector.shape_cast %get3A_701 : vector<1x16xf32> to vector<16xf32>
          %mul3A_703 = arith.constant 2 : i32
          %mul3A_704 = arith.muli %mul3A_703, %add3A_671 : i32
          %add3A_705 = arith.constant 1 : i32
          %add3A_706 = arith.addi %mul3A_704, %add3A_705 : i32
          %get3A_707 = arith.index_cast %add3A_706 : i32 to index
          %get3A_708 = arith.constant 16 : index
          %get3A_709 = tpu.vector_load %arg11[%get3A_707, %get3A_708] {strides = array<i32>} : memref<128x96xf32, #tpu.memory_space<vmem>>, vector<1x16xf32>,
          %get3A_710 = vector.shape_cast %get3A_709 : vector<1x16xf32> to vector<16xf32>
          %mul3A_711 = arith.mulf %get3A_702, %get3A_710 : vector<16xf32>
          %slice3A_712 = vector.extract_strided_slice %get3A_676 {offsets = [1], sizes = [1], strides = [1]} : vector<16xf32> to vector<1xf32>
          %squeeze3A_713 = vector.extract %slice3A_712[0] : f32 from vector<1xf32>
          %mul3A_714 = vector.broadcast %squeeze3A_713 : f32 to vector<16xf32>
          %mul3A_715 = arith.mulf %mul3A_711, %mul3A_714 : vector<16xf32>
          %add3A_716 = arith.addf %add3A_587, %mul3A_715 : vector<16xf32>
          %mul3A_717 = arith.constant 2 : i32
          %mul3A_718 = arith.muli %mul3A_717, %add3A_671 : i32
          %get3A_719 = arith.index_cast %mul3A_718 : i32 to index
          %get3A_720 = arith.constant 32 : index
          %get3A_721 = tpu.vector_load %arg11[%get3A_719, %get3A_720] {strides = array<i32>} : memref<128x96xf32, #tpu.memory_space<vmem>>, vector<1x16xf32>,
          %get3A_722 = vector.shape_cast %get3A_721 : vector<1x16xf32> to vector<16xf32>
          %mul3A_723 = arith.constant 2 : i32
          %mul3A_724 = arith.muli %mul3A_723, %add3A_671 : i32
          %add3A_725 = arith.constant 1 : i32
          %add3A_726 = arith.addi %mul3A_724, %add3A_725 : i32
          %get3A_727 = arith.index_cast %add3A_726 : i32 to index
          %get3A_728 = arith.constant 32 : index
          %get3A_729 = tpu.vector_load %arg11[%get3A_727, %get3A_728] {strides = array<i32>} : memref<128x96xf32, #tpu.memory_space<vmem>>, vector<1x16xf32>,
          %get3A_730 = vector.shape_cast %get3A_729 : vector<1x16xf32> to vector<16xf32>
          %mul3A_731 = arith.mulf %get3A_722, %get3A_730 : vector<16xf32>
          %slice3A_732 = vector.extract_strided_slice %get3A_676 {offsets = [2], sizes = [1], strides = [1]} : vector<16xf32> to vector<1xf32>
          %squeeze3A_733 = vector.extract %slice3A_732[0] : f32 from vector<1xf32>
          %mul3A_734 = vector.broadcast %squeeze3A_733 : f32 to vector<16xf32>
          %mul3A_735 = arith.mulf %mul3A_731, %mul3A_734 : vector<16xf32>
          %add3A_736 = arith.addf %add3A_607, %mul3A_735 : vector<16xf32>
          %mul3A_737 = arith.constant 2 : i32
          %mul3A_738 = arith.muli %mul3A_737, %add3A_671 : i32
          %get3A_739 = arith.index_cast %mul3A_738 : i32 to index
          %get3A_740 = arith.constant 48 : index
          %get3A_741 = tpu.vector_load %arg11[%get3A_739, %get3A_740] {strides = array<i32>} : memref<128x96xf32, #tpu.memory_space<vmem>>, vector<1x16xf32>,
          %get3A_742 = vector.shape_cast %get3A_741 : vector<1x16xf32> to vector<16xf32>
          %mul3A_743 = arith.constant 2 : i32
          %mul3A_744 = arith.muli %mul3A_743, %add3A_671 : i32
          %add3A_745 = arith.constant 1 : i32
          %add3A_746 = arith.addi %mul3A_744, %add3A_745 : i32
          %get3A_747 = arith.index_cast %add3A_746 : i32 to index
          %get3A_748 = arith.constant 48 : index
          %get3A_749 = tpu.vector_load %arg11[%get3A_747, %get3A_748] {strides = array<i32>} : memref<128x96xf32, #tpu.memory_space<vmem>>, vector<1x16xf32>,
          %get3A_750 = vector.shape_cast %get3A_749 : vector<1x16xf32> to vector<16xf32>
          %mul3A_751 = arith.mulf %get3A_742, %get3A_750 : vector<16xf32>
          %slice3A_752 = vector.extract_strided_slice %get3A_676 {offsets = [3], sizes = [1], strides = [1]} : vector<16xf32> to vector<1xf32>
          %squeeze3A_753 = vector.extract %slice3A_752[0] : f32 from vector<1xf32>
          %mul3A_754 = vector.broadcast %squeeze3A_753 : f32 to vector<16xf32>
          %mul3A_755 = arith.mulf %mul3A_751, %mul3A_754 : vector<16xf32>
          %add3A_756 = arith.addf %add3A_627, %mul3A_755 : vector<16xf32>
          %mul3A_757 = arith.constant 2 : i32
          %mul3A_758 = arith.muli %mul3A_757, %add3A_671 : i32
          %get3A_759 = arith.index_cast %mul3A_758 : i32 to index
          %get3A_760 = arith.constant 64 : index
          %get3A_761 = tpu.vector_load %arg11[%get3A_759, %get3A_760] {strides = array<i32>} : memref<128x96xf32, #tpu.memory_space<vmem>>, vector<1x16xf32>,
          %get3A_762 = vector.shape_cast %get3A_761 : vector<1x16xf32> to vector<16xf32>
          %mul3A_763 = arith.constant 2 : i32
          %mul3A_764 = arith.muli %mul3A_763, %add3A_671 : i32
          %add3A_765 = arith.constant 1 : i32
          %add3A_766 = arith.addi %mul3A_764, %add3A_765 : i32
          %get3A_767 = arith.index_cast %add3A_766 : i32 to index
          %get3A_768 = arith.constant 64 : index
          %get3A_769 = tpu.vector_load %arg11[%get3A_767, %get3A_768] {strides = array<i32>} : memref<128x96xf32, #tpu.memory_space<vmem>>, vector<1x16xf32>,
          %get3A_770 = vector.shape_cast %get3A_769 : vector<1x16xf32> to vector<16xf32>
          %mul3A_771 = arith.mulf %get3A_762, %get3A_770 : vector<16xf32>
          %slice3A_772 = vector.extract_strided_slice %get3A_676 {offsets = [4], sizes = [1], strides = [1]} : vector<16xf32> to vector<1xf32>
          %squeeze3A_773 = vector.extract %slice3A_772[0] : f32 from vector<1xf32>
          %mul3A_774 = vector.broadcast %squeeze3A_773 : f32 to vector<16xf32>
          %mul3A_775 = arith.mulf %mul3A_771, %mul3A_774 : vector<16xf32>
          %add3A_776 = arith.addf %add3A_647, %mul3A_775 : vector<16xf32>
          %mul3A_777 = arith.constant 2 : i32
          %mul3A_778 = arith.muli %mul3A_777, %add3A_671 : i32
          %get3A_779 = arith.index_cast %mul3A_778 : i32 to index
          %get3A_780 = arith.constant 80 : index
          %get3A_781 = tpu.vector_load %arg11[%get3A_779, %get3A_780] {strides = array<i32>} : memref<128x96xf32, #tpu.memory_space<vmem>>, vector<1x16xf32>,
          %get3A_782 = vector.shape_cast %get3A_781 : vector<1x16xf32> to vector<16xf32>
          %mul3A_783 = arith.constant 2 : i32
          %mul3A_784 = arith.muli %mul3A_783, %add3A_671 : i32
          %add3A_785 = arith.constant 1 : i32
          %add3A_786 = arith.addi %mul3A_784, %add3A_785 : i32
          %get3A_787 = arith.index_cast %add3A_786 : i32 to index
          %get3A_788 = arith.constant 80 : index
          %get3A_789 = tpu.vector_load %arg11[%get3A_787, %get3A_788] {strides = array<i32>} : memref<128x96xf32, #tpu.memory_space<vmem>>, vector<1x16xf32>,
          %get3A_790 = vector.shape_cast %get3A_789 : vector<1x16xf32> to vector<16xf32>
          %mul3A_791 = arith.mulf %get3A_782, %get3A_790 : vector<16xf32>
          %slice3A_792 = vector.extract_strided_slice %get3A_676 {offsets = [5], sizes = [1], strides = [1]} : vector<16xf32> to vector<1xf32>
          %squeeze3A_793 = vector.extract %slice3A_792[0] : f32 from vector<1xf32>
          %mul3A_794 = vector.broadcast %squeeze3A_793 : f32 to vector<16xf32>
          %mul3A_795 = arith.mulf %mul3A_791, %mul3A_794 : vector<16xf32>
          %add3A_796 = arith.addf %add3A_667, %mul3A_795 : vector<16xf32>
          %mul3A_797 = arith.constant 8 : i32
          %mul3A_798 = arith.muli %scan3A_145, %mul3A_797 : i32
          %add3A_799 = arith.constant 5 : i32
          %add3A_800 = arith.addi %mul3A_798, %add3A_799 : i32
          %mul3A_801 = arith.constant 8 : i32
          %mul3A_802 = arith.muli %add3A_800, %mul3A_801 : i32
          %get3A_803 = arith.index_cast %mul3A_802 : i32 to index
          %get3A_804 = tpu.vector_load %arg10[%get3A_803] {strides = array<i32>} : memref<528xf32, #tpu.memory_space<vmem>>, vector<16xf32>,
          %get3A_805 = vector.shape_cast %get3A_804 : vector<16xf32> to vector<16xf32>
          %mul3A_806 = arith.constant 2 : i32
          %mul3A_807 = arith.muli %mul3A_806, %add3A_800 : i32
          %get3A_808 = arith.index_cast %mul3A_807 : i32 to index
          %get3A_809 = arith.constant 0 : index
          %get3A_810 = tpu.vector_load %arg11[%get3A_808, %get3A_809] {strides = array<i32>} : memref<128x96xf32, #tpu.memory_space<vmem>>, vector<1x16xf32>,
          %get3A_811 = vector.shape_cast %get3A_810 : vector<1x16xf32> to vector<16xf32>
          %mul3A_812 = arith.constant 2 : i32
          %mul3A_813 = arith.muli %mul3A_812, %add3A_800 : i32
          %add3A_814 = arith.constant 1 : i32
          %add3A_815 = arith.addi %mul3A_813, %add3A_814 : i32
          %get3A_816 = arith.index_cast %add3A_815 : i32 to index
          %get3A_817 = arith.constant 0 : index
          %get3A_818 = tpu.vector_load %arg11[%get3A_816, %get3A_817] {strides = array<i32>} : memref<128x96xf32, #tpu.memory_space<vmem>>, vector<1x16xf32>,
          %get3A_819 = vector.shape_cast %get3A_818 : vector<1x16xf32> to vector<16xf32>
          %mul3A_820 = arith.mulf %get3A_811, %get3A_819 : vector<16xf32>
          %slice3A_821 = vector.extract_strided_slice %get3A_805 {offsets = [0], sizes = [1], strides = [1]} : vector<16xf32> to vector<1xf32>
          %squeeze3A_822 = vector.extract %slice3A_821[0] : f32 from vector<1xf32>
          %mul3A_823 = vector.broadcast %squeeze3A_822 : f32 to vector<16xf32>
          %mul3A_824 = arith.mulf %mul3A_820, %mul3A_823 : vector<16xf32>
          %add3A_825 = arith.addf %add3A_696, %mul3A_824 : vector<16xf32>
          %mul3A_826 = arith.constant 2 : i32
          %mul3A_827 = arith.muli %mul3A_826, %add3A_800 : i32
          %get3A_828 = arith.index_cast %mul3A_827 : i32 to index
          %get3A_829 = arith.constant 16 : index
          %get3A_830 = tpu.vector_load %arg11[%get3A_828, %get3A_829] {strides = array<i32>} : memref<128x96xf32, #tpu.memory_space<vmem>>, vector<1x16xf32>,
          %get3A_831 = vector.shape_cast %get3A_830 : vector<1x16xf32> to vector<16xf32>
          %mul3A_832 = arith.constant 2 : i32
          %mul3A_833 = arith.muli %mul3A_832, %add3A_800 : i32
          %add3A_834 = arith.constant 1 : i32
          %add3A_835 = arith.addi %mul3A_833, %add3A_834 : i32
          %get3A_836 = arith.index_cast %add3A_835 : i32 to index
          %get3A_837 = arith.constant 16 : index
          %get3A_838 = tpu.vector_load %arg11[%get3A_836, %get3A_837] {strides = array<i32>} : memref<128x96xf32, #tpu.memory_space<vmem>>, vector<1x16xf32>,
          %get3A_839 = vector.shape_cast %get3A_838 : vector<1x16xf32> to vector<16xf32>
          %mul3A_840 = arith.mulf %get3A_831, %get3A_839 : vector<16xf32>
          %slice3A_841 = vector.extract_strided_slice %get3A_805 {offsets = [1], sizes = [1], strides = [1]} : vector<16xf32> to vector<1xf32>
          %squeeze3A_842 = vector.extract %slice3A_841[0] : f32 from vector<1xf32>
          %mul3A_843 = vector.broadcast %squeeze3A_842 : f32 to vector<16xf32>
          %mul3A_844 = arith.mulf %mul3A_840, %mul3A_843 : vector<16xf32>
          %add3A_845 = arith.addf %add3A_716, %mul3A_844 : vector<16xf32>
          %mul3A_846 = arith.constant 2 : i32
          %mul3A_847 = arith.muli %mul3A_846, %add3A_800 : i32
          %get3A_848 = arith.index_cast %mul3A_847 : i32 to index
          %get3A_849 = arith.constant 32 : index
          %get3A_850 = tpu.vector_load %arg11[%get3A_848, %get3A_849] {strides = array<i32>} : memref<128x96xf32, #tpu.memory_space<vmem>>, vector<1x16xf32>,
          %get3A_851 = vector.shape_cast %get3A_850 : vector<1x16xf32> to vector<16xf32>
          %mul3A_852 = arith.constant 2 : i32
          %mul3A_853 = arith.muli %mul3A_852, %add3A_800 : i32
          %add3A_854 = arith.constant 1 : i32
          %add3A_855 = arith.addi %mul3A_853, %add3A_854 : i32
          %get3A_856 = arith.index_cast %add3A_855 : i32 to index
          %get3A_857 = arith.constant 32 : index
          %get3A_858 = tpu.vector_load %arg11[%get3A_856, %get3A_857] {strides = array<i32>} : memref<128x96xf32, #tpu.memory_space<vmem>>, vector<1x16xf32>,
          %get3A_859 = vector.shape_cast %get3A_858 : vector<1x16xf32> to vector<16xf32>
          %mul3A_860 = arith.mulf %get3A_851, %get3A_859 : vector<16xf32>
          %slice3A_861 = vector.extract_strided_slice %get3A_805 {offsets = [2], sizes = [1], strides = [1]} : vector<16xf32> to vector<1xf32>
          %squeeze3A_862 = vector.extract %slice3A_861[0] : f32 from vector<1xf32>
          %mul3A_863 = vector.broadcast %squeeze3A_862 : f32 to vector<16xf32>
          %mul3A_864 = arith.mulf %mul3A_860, %mul3A_863 : vector<16xf32>
          %add3A_865 = arith.addf %add3A_736, %mul3A_864 : vector<16xf32>
          %mul3A_866 = arith.constant 2 : i32
          %mul3A_867 = arith.muli %mul3A_866, %add3A_800 : i32
          %get3A_868 = arith.index_cast %mul3A_867 : i32 to index
          %get3A_869 = arith.constant 48 : index
          %get3A_870 = tpu.vector_load %arg11[%get3A_868, %get3A_869] {strides = array<i32>} : memref<128x96xf32, #tpu.memory_space<vmem>>, vector<1x16xf32>,
          %get3A_871 = vector.shape_cast %get3A_870 : vector<1x16xf32> to vector<16xf32>
          %mul3A_872 = arith.constant 2 : i32
          %mul3A_873 = arith.muli %mul3A_872, %add3A_800 : i32
          %add3A_874 = arith.constant 1 : i32
          %add3A_875 = arith.addi %mul3A_873, %add3A_874 : i32
          %get3A_876 = arith.index_cast %add3A_875 : i32 to index
          %get3A_877 = arith.constant 48 : index
          %get3A_878 = tpu.vector_load %arg11[%get3A_876, %get3A_877] {strides = array<i32>} : memref<128x96xf32, #tpu.memory_space<vmem>>, vector<1x16xf32>,
          %get3A_879 = vector.shape_cast %get3A_878 : vector<1x16xf32> to vector<16xf32>
          %mul3A_880 = arith.mulf %get3A_871, %get3A_879 : vector<16xf32>
          %slice3A_881 = vector.extract_strided_slice %get3A_805 {offsets = [3], sizes = [1], strides = [1]} : vector<16xf32> to vector<1xf32>
          %squeeze3A_882 = vector.extract %slice3A_881[0] : f32 from vector<1xf32>
          %mul3A_883 = vector.broadcast %squeeze3A_882 : f32 to vector<16xf32>
          %mul3A_884 = arith.mulf %mul3A_880, %mul3A_883 : vector<16xf32>
          %add3A_885 = arith.addf %add3A_756, %mul3A_884 : vector<16xf32>
          %mul3A_886 = arith.constant 2 : i32
          %mul3A_887 = arith.muli %mul3A_886, %add3A_800 : i32
          %get3A_888 = arith.index_cast %mul3A_887 : i32 to index
          %get3A_889 = arith.constant 64 : index
          %get3A_890 = tpu.vector_load %arg11[%get3A_888, %get3A_889] {strides = array<i32>} : memref<128x96xf32, #tpu.memory_space<vmem>>, vector<1x16xf32>,
          %get3A_891 = vector.shape_cast %get3A_890 : vector<1x16xf32> to vector<16xf32>
          %mul3A_892 = arith.constant 2 : i32
          %mul3A_893 = arith.muli %mul3A_892, %add3A_800 : i32
          %add3A_894 = arith.constant 1 : i32
          %add3A_895 = arith.addi %mul3A_893, %add3A_894 : i32
          %get3A_896 = arith.index_cast %add3A_895 : i32 to index
          %get3A_897 = arith.constant 64 : index
          %get3A_898 = tpu.vector_load %arg11[%get3A_896, %get3A_897] {strides = array<i32>} : memref<128x96xf32, #tpu.memory_space<vmem>>, vector<1x16xf32>,
          %get3A_899 = vector.shape_cast %get3A_898 : vector<1x16xf32> to vector<16xf32>
          %mul3A_900 = arith.mulf %get3A_891, %get3A_899 : vector<16xf32>
          %slice3A_901 = vector.extract_strided_slice %get3A_805 {offsets = [4], sizes = [1], strides = [1]} : vector<16xf32> to vector<1xf32>
          %squeeze3A_902 = vector.extract %slice3A_901[0] : f32 from vector<1xf32>
          %mul3A_903 = vector.broadcast %squeeze3A_902 : f32 to vector<16xf32>
          %mul3A_904 = arith.mulf %mul3A_900, %mul3A_903 : vector<16xf32>
          %add3A_905 = arith.addf %add3A_776, %mul3A_904 : vector<16xf32>
          %mul3A_906 = arith.constant 2 : i32
          %mul3A_907 = arith.muli %mul3A_906, %add3A_800 : i32
          %get3A_908 = arith.index_cast %mul3A_907 : i32 to index
          %get3A_909 = arith.constant 80 : index
          %get3A_910 = tpu.vector_load %arg11[%get3A_908, %get3A_909] {strides = array<i32>} : memref<128x96xf32, #tpu.memory_space<vmem>>, vector<1x16xf32>,
          %get3A_911 = vector.shape_cast %get3A_910 : vector<1x16xf32> to vector<16xf32>
          %mul3A_912 = arith.constant 2 : i32
          %mul3A_913 = arith.muli %mul3A_912, %add3A_800 : i32
          %add3A_914 = arith.constant 1 : i32
          %add3A_915 = arith.addi %mul3A_913, %add3A_914 : i32
          %get3A_916 = arith.index_cast %add3A_915 : i32 to index
          %get3A_917 = arith.constant 80 : index
          %get3A_918 = tpu.vector_load %arg11[%get3A_916, %get3A_917] {strides = array<i32>} : memref<128x96xf32, #tpu.memory_space<vmem>>, vector<1x16xf32>,
          %get3A_919 = vector.shape_cast %get3A_918 : vector<1x16xf32> to vector<16xf32>
          %mul3A_920 = arith.mulf %get3A_911, %get3A_919 : vector<16xf32>
          %slice3A_921 = vector.extract_strided_slice %get3A_805 {offsets = [5], sizes = [1], strides = [1]} : vector<16xf32> to vector<1xf32>
          %squeeze3A_922 = vector.extract %slice3A_921[0] : f32 from vector<1xf32>
          %mul3A_923 = vector.broadcast %squeeze3A_922 : f32 to vector<16xf32>
          %mul3A_924 = arith.mulf %mul3A_920, %mul3A_923 : vector<16xf32>
          %add3A_925 = arith.addf %add3A_796, %mul3A_924 : vector<16xf32>
          %mul3A_926 = arith.constant 8 : i32
          %mul3A_927 = arith.muli %scan3A_145, %mul3A_926 : i32
          %add3A_928 = arith.constant 6 : i32
          %add3A_929 = arith.addi %mul3A_927, %add3A_928 : i32
          %mul3A_930 = arith.constant 8 : i32
          %mul3A_931 = arith.muli %add3A_929, %mul3A_930 : i32
          %get3A_932 = arith.index_cast %mul3A_931 : i32 to index
          %get3A_933 = tpu.vector_load %arg10[%get3A_932] {strides = array<i32>} : memref<528xf32, #tpu.memory_space<vmem>>, vector<16xf32>,
          %get3A_934 = vector.shape_cast %get3A_933 : vector<16xf32> to vector<16xf32>
          %mul3A_935 = arith.constant 2 : i32
          %mul3A_936 = arith.muli %mul3A_935, %add3A_929 : i32
          %get3A_937 = arith.index_cast %mul3A_936 : i32 to index
          %get3A_938 = arith.constant 0 : index
          %get3A_939 = tpu.vector_load %arg11[%get3A_937, %get3A_938] {strides = array<i32>} : memref<128x96xf32, #tpu.memory_space<vmem>>, vector<1x16xf32>,
          %get3A_940 = vector.shape_cast %get3A_939 : vector<1x16xf32> to vector<16xf32>
          %mul3A_941 = arith.constant 2 : i32
          %mul3A_942 = arith.muli %mul3A_941, %add3A_929 : i32
          %add3A_943 = arith.constant 1 : i32
          %add3A_944 = arith.addi %mul3A_942, %add3A_943 : i32
          %get3A_945 = arith.index_cast %add3A_944 : i32 to index
          %get3A_946 = arith.constant 0 : index
          %get3A_947 = tpu.vector_load %arg11[%get3A_945, %get3A_946] {strides = array<i32>} : memref<128x96xf32, #tpu.memory_space<vmem>>, vector<1x16xf32>,
          %get3A_948 = vector.shape_cast %get3A_947 : vector<1x16xf32> to vector<16xf32>
          %mul3A_949 = arith.mulf %get3A_940, %get3A_948 : vector<16xf32>
          %slice3A_950 = vector.extract_strided_slice %get3A_934 {offsets = [0], sizes = [1], strides = [1]} : vector<16xf32> to vector<1xf32>
          %squeeze3A_951 = vector.extract %slice3A_950[0] : f32 from vector<1xf32>
          %mul3A_952 = vector.broadcast %squeeze3A_951 : f32 to vector<16xf32>
          %mul3A_953 = arith.mulf %mul3A_949, %mul3A_952 : vector<16xf32>
          %add3A_954 = arith.addf %add3A_825, %mul3A_953 : vector<16xf32>
          %mul3A_955 = arith.constant 2 : i32
          %mul3A_956 = arith.muli %mul3A_955, %add3A_929 : i32
          %get3A_957 = arith.index_cast %mul3A_956 : i32 to index
          %get3A_958 = arith.constant 16 : index
          %get3A_959 = tpu.vector_load %arg11[%get3A_957, %get3A_958] {strides = array<i32>} : memref<128x96xf32, #tpu.memory_space<vmem>>, vector<1x16xf32>,
          %get3A_960 = vector.shape_cast %get3A_959 : vector<1x16xf32> to vector<16xf32>
          %mul3A_961 = arith.constant 2 : i32
          %mul3A_962 = arith.muli %mul3A_961, %add3A_929 : i32
          %add3A_963 = arith.constant 1 : i32
          %add3A_964 = arith.addi %mul3A_962, %add3A_963 : i32
          %get3A_965 = arith.index_cast %add3A_964 : i32 to index
          %get3A_966 = arith.constant 16 : index
          %get3A_967 = tpu.vector_load %arg11[%get3A_965, %get3A_966] {strides = array<i32>} : memref<128x96xf32, #tpu.memory_space<vmem>>, vector<1x16xf32>,
          %get3A_968 = vector.shape_cast %get3A_967 : vector<1x16xf32> to vector<16xf32>
          %mul3A_969 = arith.mulf %get3A_960, %get3A_968 : vector<16xf32>
          %slice3A_970 = vector.extract_strided_slice %get3A_934 {offsets = [1], sizes = [1], strides = [1]} : vector<16xf32> to vector<1xf32>
          %squeeze3A_971 = vector.extract %slice3A_970[0] : f32 from vector<1xf32>
          %mul3A_972 = vector.broadcast %squeeze3A_971 : f32 to vector<16xf32>
          %mul3A_973 = arith.mulf %mul3A_969, %mul3A_972 : vector<16xf32>
          %add3A_974 = arith.addf %add3A_845, %mul3A_973 : vector<16xf32>
          %mul3A_975 = arith.constant 2 : i32
          %mul3A_976 = arith.muli %mul3A_975, %add3A_929 : i32
          %get3A_977 = arith.index_cast %mul3A_976 : i32 to index
          %get3A_978 = arith.constant 32 : index
          %get3A_979 = tpu.vector_load %arg11[%get3A_977, %get3A_978] {strides = array<i32>} : memref<128x96xf32, #tpu.memory_space<vmem>>, vector<1x16xf32>,
          %get3A_980 = vector.shape_cast %get3A_979 : vector<1x16xf32> to vector<16xf32>
          %mul3A_981 = arith.constant 2 : i32
          %mul3A_982 = arith.muli %mul3A_981, %add3A_929 : i32
          %add3A_983 = arith.constant 1 : i32
          %add3A_984 = arith.addi %mul3A_982, %add3A_983 : i32
          %get3A_985 = arith.index_cast %add3A_984 : i32 to index
          %get3A_986 = arith.constant 32 : index
          %get3A_987 = tpu.vector_load %arg11[%get3A_985, %get3A_986] {strides = array<i32>} : memref<128x96xf32, #tpu.memory_space<vmem>>, vector<1x16xf32>,
          %get3A_988 = vector.shape_cast %get3A_987 : vector<1x16xf32> to vector<16xf32>
          %mul3A_989 = arith.mulf %get3A_980, %get3A_988 : vector<16xf32>
          %slice3A_990 = vector.extract_strided_slice %get3A_934 {offsets = [2], sizes = [1], strides = [1]} : vector<16xf32> to vector<1xf32>
          %squeeze3A_991 = vector.extract %slice3A_990[0] : f32 from vector<1xf32>
          %mul3A_992 = vector.broadcast %squeeze3A_991 : f32 to vector<16xf32>
          %mul3A_993 = arith.mulf %mul3A_989, %mul3A_992 : vector<16xf32>
          %add3A_994 = arith.addf %add3A_865, %mul3A_993 : vector<16xf32>
          %mul3A_995 = arith.constant 2 : i32
          %mul3A_996 = arith.muli %mul3A_995, %add3A_929 : i32
          %get3A_997 = arith.index_cast %mul3A_996 : i32 to index
          %get3A_998 = arith.constant 48 : index
          %get3A_999 = tpu.vector_load %arg11[%get3A_997, %get3A_998] {strides = array<i32>} : memref<128x96xf32, #tpu.memory_space<vmem>>, vector<1x16xf32>,
          %get3A_1000 = vector.shape_cast %get3A_999 : vector<1x16xf32> to vector<16xf32>
          %mul3A_1001 = arith.constant 2 : i32
          %mul3A_1002 = arith.muli %mul3A_1001, %add3A_929 : i32
          %add3A_1003 = arith.constant 1 : i32
          %add3A_1004 = arith.addi %mul3A_1002, %add3A_1003 : i32
          %get3A_1005 = arith.index_cast %add3A_1004 : i32 to index
          %get3A_1006 = arith.constant 48 : index
          %get3A_1007 = tpu.vector_load %arg11[%get3A_1005, %get3A_1006] {strides = array<i32>} : memref<128x96xf32, #tpu.memory_space<vmem>>, vector<1x16xf32>,
          %get3A_1008 = vector.shape_cast %get3A_1007 : vector<1x16xf32> to vector<16xf32>
          %mul3A_1009 = arith.mulf %get3A_1000, %get3A_1008 : vector<16xf32>
          %slice3A_1010 = vector.extract_strided_slice %get3A_934 {offsets = [3], sizes = [1], strides = [1]} : vector<16xf32> to vector<1xf32>
          %squeeze3A_1011 = vector.extract %slice3A_1010[0] : f32 from vector<1xf32>
          %mul3A_1012 = vector.broadcast %squeeze3A_1011 : f32 to vector<16xf32>
          %mul3A_1013 = arith.mulf %mul3A_1009, %mul3A_1012 : vector<16xf32>
          %add3A_1014 = arith.addf %add3A_885, %mul3A_1013 : vector<16xf32>
          %mul3A_1015 = arith.constant 2 : i32
          %mul3A_1016 = arith.muli %mul3A_1015, %add3A_929 : i32
          %get3A_1017 = arith.index_cast %mul3A_1016 : i32 to index
          %get3A_1018 = arith.constant 64 : index
          %get3A_1019 = tpu.vector_load %arg11[%get3A_1017, %get3A_1018] {strides = array<i32>} : memref<128x96xf32, #tpu.memory_space<vmem>>, vector<1x16xf32>,
          %get3A_1020 = vector.shape_cast %get3A_1019 : vector<1x16xf32> to vector<16xf32>
          %mul3A_1021 = arith.constant 2 : i32
          %mul3A_1022 = arith.muli %mul3A_1021, %add3A_929 : i32
          %add3A_1023 = arith.constant 1 : i32
          %add3A_1024 = arith.addi %mul3A_1022, %add3A_1023 : i32
          %get3A_1025 = arith.index_cast %add3A_1024 : i32 to index
          %get3A_1026 = arith.constant 64 : index
          %get3A_1027 = tpu.vector_load %arg11[%get3A_1025, %get3A_1026] {strides = array<i32>} : memref<128x96xf32, #tpu.memory_space<vmem>>, vector<1x16xf32>,
          %get3A_1028 = vector.shape_cast %get3A_1027 : vector<1x16xf32> to vector<16xf32>
          %mul3A_1029 = arith.mulf %get3A_1020, %get3A_1028 : vector<16xf32>
          %slice3A_1030 = vector.extract_strided_slice %get3A_934 {offsets = [4], sizes = [1], strides = [1]} : vector<16xf32> to vector<1xf32>
          %squeeze3A_1031 = vector.extract %slice3A_1030[0] : f32 from vector<1xf32>
          %mul3A_1032 = vector.broadcast %squeeze3A_1031 : f32 to vector<16xf32>
          %mul3A_1033 = arith.mulf %mul3A_1029, %mul3A_1032 : vector<16xf32>
          %add3A_1034 = arith.addf %add3A_905, %mul3A_1033 : vector<16xf32>
          %mul3A_1035 = arith.constant 2 : i32
          %mul3A_1036 = arith.muli %mul3A_1035, %add3A_929 : i32
          %get3A_1037 = arith.index_cast %mul3A_1036 : i32 to index
          %get3A_1038 = arith.constant 80 : index
          %get3A_1039 = tpu.vector_load %arg11[%get3A_1037, %get3A_1038] {strides = array<i32>} : memref<128x96xf32, #tpu.memory_space<vmem>>, vector<1x16xf32>,
          %get3A_1040 = vector.shape_cast %get3A_1039 : vector<1x16xf32> to vector<16xf32>
          %mul3A_1041 = arith.constant 2 : i32
          %mul3A_1042 = arith.muli %mul3A_1041, %add3A_929 : i32
          %add3A_1043 = arith.constant 1 : i32
          %add3A_1044 = arith.addi %mul3A_1042, %add3A_1043 : i32
          %get3A_1045 = arith.index_cast %add3A_1044 : i32 to index
          %get3A_1046 = arith.constant 80 : index
          %get3A_1047 = tpu.vector_load %arg11[%get3A_1045, %get3A_1046] {strides = array<i32>} : memref<128x96xf32, #tpu.memory_space<vmem>>, vector<1x16xf32>,
          %get3A_1048 = vector.shape_cast %get3A_1047 : vector<1x16xf32> to vector<16xf32>
          %mul3A_1049 = arith.mulf %get3A_1040, %get3A_1048 : vector<16xf32>
          %slice3A_1050 = vector.extract_strided_slice %get3A_934 {offsets = [5], sizes = [1], strides = [1]} : vector<16xf32> to vector<1xf32>
          %squeeze3A_1051 = vector.extract %slice3A_1050[0] : f32 from vector<1xf32>
          %mul3A_1052 = vector.broadcast %squeeze3A_1051 : f32 to vector<16xf32>
          %mul3A_1053 = arith.mulf %mul3A_1049, %mul3A_1052 : vector<16xf32>
          %add3A_1054 = arith.addf %add3A_925, %mul3A_1053 : vector<16xf32>
          %mul3A_1055 = arith.constant 8 : i32
          %mul3A_1056 = arith.muli %scan3A_145, %mul3A_1055 : i32
          %add3A_1057 = arith.constant 7 : i32
          %add3A_1058 = arith.addi %mul3A_1056, %add3A_1057 : i32
          %mul3A_1059 = arith.constant 8 : i32
          %mul3A_1060 = arith.muli %add3A_1058, %mul3A_1059 : i32
          %get3A_1061 = arith.index_cast %mul3A_1060 : i32 to index
          %get3A_1062 = tpu.vector_load %arg10[%get3A_1061] {strides = array<i32>} : memref<528xf32, #tpu.memory_space<vmem>>, vector<16xf32>,
          %get3A_1063 = vector.shape_cast %get3A_1062 : vector<16xf32> to vector<16xf32>
          %mul3A_1064 = arith.constant 2 : i32
          %mul3A_1065 = arith.muli %mul3A_1064, %add3A_1058 : i32
          %get3A_1066 = arith.index_cast %mul3A_1065 : i32 to index
          %get3A_1067 = arith.constant 0 : index
          %get3A_1068 = tpu.vector_load %arg11[%get3A_1066, %get3A_1067] {strides = array<i32>} : memref<128x96xf32, #tpu.memory_space<vmem>>, vector<1x16xf32>,
          %get3A_1069 = vector.shape_cast %get3A_1068 : vector<1x16xf32> to vector<16xf32>
          %mul3A_1070 = arith.constant 2 : i32
          %mul3A_1071 = arith.muli %mul3A_1070, %add3A_1058 : i32
          %add3A_1072 = arith.constant 1 : i32
          %add3A_1073 = arith.addi %mul3A_1071, %add3A_1072 : i32
          %get3A_1074 = arith.index_cast %add3A_1073 : i32 to index
          %get3A_1075 = arith.constant 0 : index
          %get3A_1076 = tpu.vector_load %arg11[%get3A_1074, %get3A_1075] {strides = array<i32>} : memref<128x96xf32, #tpu.memory_space<vmem>>, vector<1x16xf32>,
          %get3A_1077 = vector.shape_cast %get3A_1076 : vector<1x16xf32> to vector<16xf32>
          %mul3A_1078 = arith.mulf %get3A_1069, %get3A_1077 : vector<16xf32>
          %slice3A_1079 = vector.extract_strided_slice %get3A_1063 {offsets = [0], sizes = [1], strides = [1]} : vector<16xf32> to vector<1xf32>
          %squeeze3A_1080 = vector.extract %slice3A_1079[0] : f32 from vector<1xf32>
          %mul3A_1081 = vector.broadcast %squeeze3A_1080 : f32 to vector<16xf32>
          %mul3A_1082 = arith.mulf %mul3A_1078, %mul3A_1081 : vector<16xf32>
          %add3A_1083 = arith.addf %add3A_954, %mul3A_1082 : vector<16xf32>
          %mul3A_1084 = arith.constant 2 : i32
          %mul3A_1085 = arith.muli %mul3A_1084, %add3A_1058 : i32
          %get3A_1086 = arith.index_cast %mul3A_1085 : i32 to index
          %get3A_1087 = arith.constant 16 : index
          %get3A_1088 = tpu.vector_load %arg11[%get3A_1086, %get3A_1087] {strides = array<i32>} : memref<128x96xf32, #tpu.memory_space<vmem>>, vector<1x16xf32>,
          %get3A_1089 = vector.shape_cast %get3A_1088 : vector<1x16xf32> to vector<16xf32>
          %mul3A_1090 = arith.constant 2 : i32
          %mul3A_1091 = arith.muli %mul3A_1090, %add3A_1058 : i32
          %add3A_1092 = arith.constant 1 : i32
          %add3A_1093 = arith.addi %mul3A_1091, %add3A_1092 : i32
          %get3A_1094 = arith.index_cast %add3A_1093 : i32 to index
          %get3A_1095 = arith.constant 16 : index
          %get3A_1096 = tpu.vector_load %arg11[%get3A_1094, %get3A_1095] {strides = array<i32>} : memref<128x96xf32, #tpu.memory_space<vmem>>, vector<1x16xf32>,
          %get3A_1097 = vector.shape_cast %get3A_1096 : vector<1x16xf32> to vector<16xf32>
          %mul3A_1098 = arith.mulf %get3A_1089, %get3A_1097 : vector<16xf32>
          %slice3A_1099 = vector.extract_strided_slice %get3A_1063 {offsets = [1], sizes = [1], strides = [1]} : vector<16xf32> to vector<1xf32>
          %squeeze3A_1100 = vector.extract %slice3A_1099[0] : f32 from vector<1xf32>
          %mul3A_1101 = vector.broadcast %squeeze3A_1100 : f32 to vector<16xf32>
          %mul3A_1102 = arith.mulf %mul3A_1098, %mul3A_1101 : vector<16xf32>
          %add3A_1103 = arith.addf %add3A_974, %mul3A_1102 : vector<16xf32>
          %mul3A_1104 = arith.constant 2 : i32
          %mul3A_1105 = arith.muli %mul3A_1104, %add3A_1058 : i32
          %get3A_1106 = arith.index_cast %mul3A_1105 : i32 to index
          %get3A_1107 = arith.constant 32 : index
          %get3A_1108 = tpu.vector_load %arg11[%get3A_1106, %get3A_1107] {strides = array<i32>} : memref<128x96xf32, #tpu.memory_space<vmem>>, vector<1x16xf32>,
          %get3A_1109 = vector.shape_cast %get3A_1108 : vector<1x16xf32> to vector<16xf32>
          %mul3A_1110 = arith.constant 2 : i32
          %mul3A_1111 = arith.muli %mul3A_1110, %add3A_1058 : i32
          %add3A_1112 = arith.constant 1 : i32
          %add3A_1113 = arith.addi %mul3A_1111, %add3A_1112 : i32
          %get3A_1114 = arith.index_cast %add3A_1113 : i32 to index
          %get3A_1115 = arith.constant 32 : index
          %get3A_1116 = tpu.vector_load %arg11[%get3A_1114, %get3A_1115] {strides = array<i32>} : memref<128x96xf32, #tpu.memory_space<vmem>>, vector<1x16xf32>,
          %get3A_1117 = vector.shape_cast %get3A_1116 : vector<1x16xf32> to vector<16xf32>
          %mul3A_1118 = arith.mulf %get3A_1109, %get3A_1117 : vector<16xf32>
          %slice3A_1119 = vector.extract_strided_slice %get3A_1063 {offsets = [2], sizes = [1], strides = [1]} : vector<16xf32> to vector<1xf32>
          %squeeze3A_1120 = vector.extract %slice3A_1119[0] : f32 from vector<1xf32>
          %mul3A_1121 = vector.broadcast %squeeze3A_1120 : f32 to vector<16xf32>
          %mul3A_1122 = arith.mulf %mul3A_1118, %mul3A_1121 : vector<16xf32>
          %add3A_1123 = arith.addf %add3A_994, %mul3A_1122 : vector<16xf32>
          %mul3A_1124 = arith.constant 2 : i32
          %mul3A_1125 = arith.muli %mul3A_1124, %add3A_1058 : i32
          %get3A_1126 = arith.index_cast %mul3A_1125 : i32 to index
          %get3A_1127 = arith.constant 48 : index
          %get3A_1128 = tpu.vector_load %arg11[%get3A_1126, %get3A_1127] {strides = array<i32>} : memref<128x96xf32, #tpu.memory_space<vmem>>, vector<1x16xf32>,
          %get3A_1129 = vector.shape_cast %get3A_1128 : vector<1x16xf32> to vector<16xf32>
          %mul3A_1130 = arith.constant 2 : i32
          %mul3A_1131 = arith.muli %mul3A_1130, %add3A_1058 : i32
          %add3A_1132 = arith.constant 1 : i32
          %add3A_1133 = arith.addi %mul3A_1131, %add3A_1132 : i32
          %get3A_1134 = arith.index_cast %add3A_1133 : i32 to index
          %get3A_1135 = arith.constant 48 : index
          %get3A_1136 = tpu.vector_load %arg11[%get3A_1134, %get3A_1135] {strides = array<i32>} : memref<128x96xf32, #tpu.memory_space<vmem>>, vector<1x16xf32>,
          %get3A_1137 = vector.shape_cast %get3A_1136 : vector<1x16xf32> to vector<16xf32>
          %mul3A_1138 = arith.mulf %get3A_1129, %get3A_1137 : vector<16xf32>
          %slice3A_1139 = vector.extract_strided_slice %get3A_1063 {offsets = [3], sizes = [1], strides = [1]} : vector<16xf32> to vector<1xf32>
          %squeeze3A_1140 = vector.extract %slice3A_1139[0] : f32 from vector<1xf32>
          %mul3A_1141 = vector.broadcast %squeeze3A_1140 : f32 to vector<16xf32>
          %mul3A_1142 = arith.mulf %mul3A_1138, %mul3A_1141 : vector<16xf32>
          %add3A_1143 = arith.addf %add3A_1014, %mul3A_1142 : vector<16xf32>
          %mul3A_1144 = arith.constant 2 : i32
          %mul3A_1145 = arith.muli %mul3A_1144, %add3A_1058 : i32
          %get3A_1146 = arith.index_cast %mul3A_1145 : i32 to index
          %get3A_1147 = arith.constant 64 : index
          %get3A_1148 = tpu.vector_load %arg11[%get3A_1146, %get3A_1147] {strides = array<i32>} : memref<128x96xf32, #tpu.memory_space<vmem>>, vector<1x16xf32>,
          %get3A_1149 = vector.shape_cast %get3A_1148 : vector<1x16xf32> to vector<16xf32>
          %mul3A_1150 = arith.constant 2 : i32
          %mul3A_1151 = arith.muli %mul3A_1150, %add3A_1058 : i32
          %add3A_1152 = arith.constant 1 : i32
          %add3A_1153 = arith.addi %mul3A_1151, %add3A_1152 : i32
          %get3A_1154 = arith.index_cast %add3A_1153 : i32 to index
          %get3A_1155 = arith.constant 64 : index
          %get3A_1156 = tpu.vector_load %arg11[%get3A_1154, %get3A_1155] {strides = array<i32>} : memref<128x96xf32, #tpu.memory_space<vmem>>, vector<1x16xf32>,
          %get3A_1157 = vector.shape_cast %get3A_1156 : vector<1x16xf32> to vector<16xf32>
          %mul3A_1158 = arith.mulf %get3A_1149, %get3A_1157 : vector<16xf32>
          %slice3A_1159 = vector.extract_strided_slice %get3A_1063 {offsets = [4], sizes = [1], strides = [1]} : vector<16xf32> to vector<1xf32>
          %squeeze3A_1160 = vector.extract %slice3A_1159[0] : f32 from vector<1xf32>
          %mul3A_1161 = vector.broadcast %squeeze3A_1160 : f32 to vector<16xf32>
          %mul3A_1162 = arith.mulf %mul3A_1158, %mul3A_1161 : vector<16xf32>
          %add3A_1163 = arith.addf %add3A_1034, %mul3A_1162 : vector<16xf32>
          %mul3A_1164 = arith.constant 2 : i32
          %mul3A_1165 = arith.muli %mul3A_1164, %add3A_1058 : i32
          %get3A_1166 = arith.index_cast %mul3A_1165 : i32 to index
          %get3A_1167 = arith.constant 80 : index
          %get3A_1168 = tpu.vector_load %arg11[%get3A_1166, %get3A_1167] {strides = array<i32>} : memref<128x96xf32, #tpu.memory_space<vmem>>, vector<1x16xf32>,
          %get3A_1169 = vector.shape_cast %get3A_1168 : vector<1x16xf32> to vector<16xf32>
          %mul3A_1170 = arith.constant 2 : i32
          %mul3A_1171 = arith.muli %mul3A_1170, %add3A_1058 : i32
          %add3A_1172 = arith.constant 1 : i32
          %add3A_1173 = arith.addi %mul3A_1171, %add3A_1172 : i32
          %get3A_1174 = arith.index_cast %add3A_1173 : i32 to index
          %get3A_1175 = arith.constant 80 : index
          %get3A_1176 = tpu.vector_load %arg11[%get3A_1174, %get3A_1175] {strides = array<i32>} : memref<128x96xf32, #tpu.memory_space<vmem>>, vector<1x16xf32>,
          %get3A_1177 = vector.shape_cast %get3A_1176 : vector<1x16xf32> to vector<16xf32>
          %mul3A_1178 = arith.mulf %get3A_1169, %get3A_1177 : vector<16xf32>
          %slice3A_1179 = vector.extract_strided_slice %get3A_1063 {offsets = [5], sizes = [1], strides = [1]} : vector<16xf32> to vector<1xf32>
          %squeeze3A_1180 = vector.extract %slice3A_1179[0] : f32 from vector<1xf32>
          %mul3A_1181 = vector.broadcast %squeeze3A_1180 : f32 to vector<16xf32>
          %mul3A_1182 = arith.mulf %mul3A_1178, %mul3A_1181 : vector<16xf32>
          %add3A_1183 = arith.addf %add3A_1054, %mul3A_1182 : vector<16xf32>
          scf.yield %add3A_1083, %add3A_1103, %add3A_1123, %add3A_1143, %add3A_1163, %add3A_1183 : vector<16xf32>, vector<16xf32>, vector<16xf32>, vector<16xf32>, vector<16xf32>, vector<16xf32>
        }
        %scan3A_84 = arith.constant 8 : i32
        %get3A_85 = arith.index_cast %squeeze3A : i32 to index
        %get3A_86 = arith.constant 0 : index
        %get3A_87 = tpu.vector_load %arg12[%get3A_85, %get3A_86] {strides = array<i32>} : memref<100x96xf32, #tpu.memory_space<vmem>>, vector<1x16xf32>,
        %get3A_88 = vector.shape_cast %get3A_87 : vector<1x16xf32> to vector<16xf32>
        %add3A_89 = arith.addf %get3A_88, %scan3A_83#0 : vector<16xf32>
        %swap3A = arith.index_cast %squeeze3A : i32 to index
        %swap3A_90 = arith.constant 0 : index
        %swap3A_91 = tpu.vector_load %arg12[%swap3A, %swap3A_90] {strides = array<i32>} : memref<100x96xf32, #tpu.memory_space<vmem>>, vector<1x16xf32>,
        %swap3A_92 = vector.shape_cast %swap3A_91 : vector<1x16xf32> to vector<16xf32>
        %swap3A_93 = vector.shape_cast %add3A_89 : vector<16xf32> to vector<1x16xf32>
        tpu.vector_store %arg12[%swap3A, %swap3A_90], %swap3A_93 {strides = array<i32>} : memref<100x96xf32, #tpu.memory_space<vmem>>, vector<1x16xf32>,
        %get3A_94 = arith.index_cast %squeeze3A : i32 to index
        %get3A_95 = arith.constant 16 : index
        %get3A_96 = tpu.vector_load %arg12[%get3A_94, %get3A_95] {strides = array<i32>} : memref<100x96xf32, #tpu.memory_space<vmem>>, vector<1x16xf32>,
        %get3A_97 = vector.shape_cast %get3A_96 : vector<1x16xf32> to vector<16xf32>
        %add3A_98 = arith.addf %get3A_97, %scan3A_83#1 : vector<16xf32>
        %swap3A_99 = arith.index_cast %squeeze3A : i32 to index
        %swap3A_100 = arith.constant 16 : index
        %swap3A_101 = tpu.vector_load %arg12[%swap3A_99, %swap3A_100] {strides = array<i32>} : memref<100x96xf32, #tpu.memory_space<vmem>>, vector<1x16xf32>,
        %swap3A_102 = vector.shape_cast %swap3A_101 : vector<1x16xf32> to vector<16xf32>
        %swap3A_103 = vector.shape_cast %add3A_98 : vector<16xf32> to vector<1x16xf32>
        tpu.vector_store %arg12[%swap3A_99, %swap3A_100], %swap3A_103 {strides = array<i32>} : memref<100x96xf32, #tpu.memory_space<vmem>>, vector<1x16xf32>,
        %get3A_104 = arith.index_cast %squeeze3A : i32 to index
        %get3A_105 = arith.constant 32 : index
        %get3A_106 = tpu.vector_load %arg12[%get3A_104, %get3A_105] {strides = array<i32>} : memref<100x96xf32, #tpu.memory_space<vmem>>, vector<1x16xf32>,
        %get3A_107 = vector.shape_cast %get3A_106 : vector<1x16xf32> to vector<16xf32>
        %add3A_108 = arith.addf %get3A_107, %scan3A_83#2 : vector<16xf32>
        %swap3A_109 = arith.index_cast %squeeze3A : i32 to index
        %swap3A_110 = arith.constant 32 : index
        %swap3A_111 = tpu.vector_load %arg12[%swap3A_109, %swap3A_110] {strides = array<i32>} : memref<100x96xf32, #tpu.memory_space<vmem>>, vector<1x16xf32>,
        %swap3A_112 = vector.shape_cast %swap3A_111 : vector<1x16xf32> to vector<16xf32>
        %swap3A_113 = vector.shape_cast %add3A_108 : vector<16xf32> to vector<1x16xf32>
        tpu.vector_store %arg12[%swap3A_109, %swap3A_110], %swap3A_113 {strides = array<i32>} : memref<100x96xf32, #tpu.memory_space<vmem>>, vector<1x16xf32>,
        %get3A_114 = arith.index_cast %squeeze3A : i32 to index
        %get3A_115 = arith.constant 48 : index
        %get3A_116 = tpu.vector_load %arg12[%get3A_114, %get3A_115] {strides = array<i32>} : memref<100x96xf32, #tpu.memory_space<vmem>>, vector<1x16xf32>,
        %get3A_117 = vector.shape_cast %get3A_116 : vector<1x16xf32> to vector<16xf32>
        %add3A_118 = arith.addf %get3A_117, %scan3A_83#3 : vector<16xf32>
        %swap3A_119 = arith.index_cast %squeeze3A : i32 to index
        %swap3A_120 = arith.constant 48 : index
        %swap3A_121 = tpu.vector_load %arg12[%swap3A_119, %swap3A_120] {strides = array<i32>} : memref<100x96xf32, #tpu.memory_space<vmem>>, vector<1x16xf32>,
        %swap3A_122 = vector.shape_cast %swap3A_121 : vector<1x16xf32> to vector<16xf32>
        %swap3A_123 = vector.shape_cast %add3A_118 : vector<16xf32> to vector<1x16xf32>
        tpu.vector_store %arg12[%swap3A_119, %swap3A_120], %swap3A_123 {strides = array<i32>} : memref<100x96xf32, #tpu.memory_space<vmem>>, vector<1x16xf32>,
        %get3A_124 = arith.index_cast %squeeze3A : i32 to index
        %get3A_125 = arith.constant 64 : index
        %get3A_126 = tpu.vector_load %arg12[%get3A_124, %get3A_125] {strides = array<i32>} : memref<100x96xf32, #tpu.memory_space<vmem>>, vector<1x16xf32>,
        %get3A_127 = vector.shape_cast %get3A_126 : vector<1x16xf32> to vector<16xf32>
        %add3A_128 = arith.addf %get3A_127, %scan3A_83#4 : vector<16xf32>
        %swap3A_129 = arith.index_cast %squeeze3A : i32 to index
        %swap3A_130 = arith.constant 64 : index
        %swap3A_131 = tpu.vector_load %arg12[%swap3A_129, %swap3A_130] {strides = array<i32>} : memref<100x96xf32, #tpu.memory_space<vmem>>, vector<1x16xf32>,
        %swap3A_132 = vector.shape_cast %swap3A_131 : vector<1x16xf32> to vector<16xf32>
        %swap3A_133 = vector.shape_cast %add3A_128 : vector<16xf32> to vector<1x16xf32>
        tpu.vector_store %arg12[%swap3A_129, %swap3A_130], %swap3A_133 {strides = array<i32>} : memref<100x96xf32, #tpu.memory_space<vmem>>, vector<1x16xf32>,
        %get3A_134 = arith.index_cast %squeeze3A : i32 to index
        %get3A_135 = arith.constant 80 : index
        %get3A_136 = tpu.vector_load %arg12[%get3A_134, %get3A_135] {strides = array<i32>} : memref<100x96xf32, #tpu.memory_space<vmem>>, vector<1x16xf32>,
        %get3A_137 = vector.shape_cast %get3A_136 : vector<1x16xf32> to vector<16xf32>
        %add3A_138 = arith.addf %get3A_137, %scan3A_83#5 : vector<16xf32>
        %swap3A_139 = arith.index_cast %squeeze3A : i32 to index
        %swap3A_140 = arith.constant 80 : index
        %swap3A_141 = tpu.vector_load %arg12[%swap3A_139, %swap3A_140] {strides = array<i32>} : memref<100x96xf32, #tpu.memory_space<vmem>>, vector<1x16xf32>,
        %swap3A_142 = vector.shape_cast %swap3A_141 : vector<1x16xf32> to vector<16xf32>
        %swap3A_143 = vector.shape_cast %add3A_138 : vector<16xf32> to vector<1x16xf32>
        tpu.vector_store %arg12[%swap3A_139, %swap3A_140], %swap3A_143 {strides = array<i32>} : memref<100x96xf32, #tpu.memory_space<vmem>>, vector<1x16xf32>,
        %cond3A_144 = arith.constant 0 : i32
        scf.yield %cond3A_144 : i32
      } else {
        %scan3A_79 = arith.constant 0 : i32
        %scan3A_80 = arith.constant 0 : i32
        %scan3A_81 = arith.constant 64 : i32
        %scan3A_82 = arith.addi %scan3A_80, %scan3A_81 : i32
        %scan3A_83 = arith.constant 1 : i32
        scf.for %scan3A_86 = %scan3A_80 to %scan3A_82 step %scan3A_83  : i32 {
          %add3A_87 = arith.addi %mul3A_65, %scan3A_86 : i32
          %get3A_88 = arith.index_cast %add3A_87 : i32 to index
          %get3A_89 = tpu.vector_load %arg9[%get3A_88] {strides = array<i32>} : memref<5136xi32, #tpu.memory_space<vmem>>, vector<16xi32>,
          %get3A_90 = vector.shape_cast %get3A_89 : vector<16xi32> to vector<16xi32>
          %slice3A_91 = vector.extract_strided_slice %get3A_90 {offsets = [0], sizes = [1], strides = [1]} : vector<16xi32> to vector<1xi32>
          %squeeze3A_92 = vector.extract %slice3A_91[0] : i32 from vector<1xi32>
          %mul3A_93 = arith.constant 8 : i32
          %mul3A_94 = arith.muli %scan3A_86, %mul3A_93 : i32
          %get3A_95 = arith.index_cast %mul3A_94 : i32 to index
          %get3A_96 = tpu.vector_load %arg10[%get3A_95] {strides = array<i32>} : memref<528xf32, #tpu.memory_space<vmem>>, vector<16xf32>,
          %get3A_97 = vector.shape_cast %get3A_96 : vector<16xf32> to vector<16xf32>
          %mul3A_98 = arith.constant 2 : i32
          %mul3A_99 = arith.muli %mul3A_98, %scan3A_86 : i32
          %get3A_100 = arith.index_cast %mul3A_99 : i32 to index
          %get3A_101 = arith.constant 0 : index
          %get3A_102 = tpu.vector_load %arg11[%get3A_100, %get3A_101] {strides = array<i32>} : memref<128x96xf32, #tpu.memory_space<vmem>>, vector<1x16xf32>,
          %get3A_103 = vector.shape_cast %get3A_102 : vector<1x16xf32> to vector<16xf32>
          %mul3A_104 = arith.constant 2 : i32
          %mul3A_105 = arith.muli %mul3A_104, %scan3A_86 : i32
          %add3A_106 = arith.constant 1 : i32
          %add3A_107 = arith.addi %mul3A_105, %add3A_106 : i32
          %get3A_108 = arith.index_cast %add3A_107 : i32 to index
          %get3A_109 = arith.constant 0 : index
          %get3A_110 = tpu.vector_load %arg11[%get3A_108, %get3A_109] {strides = array<i32>} : memref<128x96xf32, #tpu.memory_space<vmem>>, vector<1x16xf32>,
          %get3A_111 = vector.shape_cast %get3A_110 : vector<1x16xf32> to vector<16xf32>
          %get3A_112 = arith.index_cast %squeeze3A_92 : i32 to index
          %get3A_113 = arith.constant 0 : index
          %get3A_114 = tpu.vector_load %arg12[%get3A_112, %get3A_113] {strides = array<i32>} : memref<100x96xf32, #tpu.memory_space<vmem>>, vector<1x16xf32>,
          %get3A_115 = vector.shape_cast %get3A_114 : vector<1x16xf32> to vector<16xf32>
          %mul3A_116 = arith.mulf %get3A_103, %get3A_111 : vector<16xf32>
          %slice3A_117 = vector.extract_strided_slice %get3A_97 {offsets = [0], sizes = [1], strides = [1]} : vector<16xf32> to vector<1xf32>
          %squeeze3A_118 = vector.extract %slice3A_117[0] : f32 from vector<1xf32>
          %mul3A_119 = vector.broadcast %squeeze3A_118 : f32 to vector<16xf32>
          %mul3A_120 = arith.mulf %mul3A_116, %mul3A_119 : vector<16xf32>
          %add3A_121 = arith.addf %get3A_115, %mul3A_120 : vector<16xf32>
          %swap3A = arith.index_cast %squeeze3A_92 : i32 to index
          %swap3A_122 = arith.constant 0 : index
          %swap3A_123 = tpu.vector_load %arg12[%swap3A, %swap3A_122] {strides = array<i32>} : memref<100x96xf32, #tpu.memory_space<vmem>>, vector<1x16xf32>,
          %swap3A_124 = vector.shape_cast %swap3A_123 : vector<1x16xf32> to vector<16xf32>
          %swap3A_125 = vector.shape_cast %add3A_121 : vector<16xf32> to vector<1x16xf32>
          tpu.vector_store %arg12[%swap3A, %swap3A_122], %swap3A_125 {strides = array<i32>} : memref<100x96xf32, #tpu.memory_space<vmem>>, vector<1x16xf32>,
          %mul3A_126 = arith.constant 2 : i32
          %mul3A_127 = arith.muli %mul3A_126, %scan3A_86 : i32
          %get3A_128 = arith.index_cast %mul3A_127 : i32 to index
          %get3A_129 = arith.constant 16 : index
          %get3A_130 = tpu.vector_load %arg11[%get3A_128, %get3A_129] {strides = array<i32>} : memref<128x96xf32, #tpu.memory_space<vmem>>, vector<1x16xf32>,
          %get3A_131 = vector.shape_cast %get3A_130 : vector<1x16xf32> to vector<16xf32>
          %mul3A_132 = arith.constant 2 : i32
          %mul3A_133 = arith.muli %mul3A_132, %scan3A_86 : i32
          %add3A_134 = arith.constant 1 : i32
          %add3A_135 = arith.addi %mul3A_133, %add3A_134 : i32
          %get3A_136 = arith.index_cast %add3A_135 : i32 to index
          %get3A_137 = arith.constant 16 : index
          %get3A_138 = tpu.vector_load %arg11[%get3A_136, %get3A_137] {strides = array<i32>} : memref<128x96xf32, #tpu.memory_space<vmem>>, vector<1x16xf32>,
          %get3A_139 = vector.shape_cast %get3A_138 : vector<1x16xf32> to vector<16xf32>
          %get3A_140 = arith.index_cast %squeeze3A_92 : i32 to index
          %get3A_141 = arith.constant 16 : index
          %get3A_142 = tpu.vector_load %arg12[%get3A_140, %get3A_141] {strides = array<i32>} : memref<100x96xf32, #tpu.memory_space<vmem>>, vector<1x16xf32>,
          %get3A_143 = vector.shape_cast %get3A_142 : vector<1x16xf32> to vector<16xf32>
          %mul3A_144 = arith.mulf %get3A_131, %get3A_139 : vector<16xf32>
          %slice3A_145 = vector.extract_strided_slice %get3A_97 {offsets = [1], sizes = [1], strides = [1]} : vector<16xf32> to vector<1xf32>
          %squeeze3A_146 = vector.extract %slice3A_145[0] : f32 from vector<1xf32>
          %mul3A_147 = vector.broadcast %squeeze3A_146 : f32 to vector<16xf32>
          %mul3A_148 = arith.mulf %mul3A_144, %mul3A_147 : vector<16xf32>
          %add3A_149 = arith.addf %get3A_143, %mul3A_148 : vector<16xf32>
          %swap3A_150 = arith.index_cast %squeeze3A_92 : i32 to index
          %swap3A_151 = arith.constant 16 : index
          %swap3A_152 = tpu.vector_load %arg12[%swap3A_150, %swap3A_151] {strides = array<i32>} : memref<100x96xf32, #tpu.memory_space<vmem>>, vector<1x16xf32>,
          %swap3A_153 = vector.shape_cast %swap3A_152 : vector<1x16xf32> to vector<16xf32>
          %swap3A_154 = vector.shape_cast %add3A_149 : vector<16xf32> to vector<1x16xf32>
          tpu.vector_store %arg12[%swap3A_150, %swap3A_151], %swap3A_154 {strides = array<i32>} : memref<100x96xf32, #tpu.memory_space<vmem>>, vector<1x16xf32>,
          %mul3A_155 = arith.constant 2 : i32
          %mul3A_156 = arith.muli %mul3A_155, %scan3A_86 : i32
          %get3A_157 = arith.index_cast %mul3A_156 : i32 to index
          %get3A_158 = arith.constant 32 : index
          %get3A_159 = tpu.vector_load %arg11[%get3A_157, %get3A_158] {strides = array<i32>} : memref<128x96xf32, #tpu.memory_space<vmem>>, vector<1x16xf32>,
          %get3A_160 = vector.shape_cast %get3A_159 : vector<1x16xf32> to vector<16xf32>
          %mul3A_161 = arith.constant 2 : i32
          %mul3A_162 = arith.muli %mul3A_161, %scan3A_86 : i32
          %add3A_163 = arith.constant 1 : i32
          %add3A_164 = arith.addi %mul3A_162, %add3A_163 : i32
          %get3A_165 = arith.index_cast %add3A_164 : i32 to index
          %get3A_166 = arith.constant 32 : index
          %get3A_167 = tpu.vector_load %arg11[%get3A_165, %get3A_166] {strides = array<i32>} : memref<128x96xf32, #tpu.memory_space<vmem>>, vector<1x16xf32>,
          %get3A_168 = vector.shape_cast %get3A_167 : vector<1x16xf32> to vector<16xf32>
          %get3A_169 = arith.index_cast %squeeze3A_92 : i32 to index
          %get3A_170 = arith.constant 32 : index
          %get3A_171 = tpu.vector_load %arg12[%get3A_169, %get3A_170] {strides = array<i32>} : memref<100x96xf32, #tpu.memory_space<vmem>>, vector<1x16xf32>,
          %get3A_172 = vector.shape_cast %get3A_171 : vector<1x16xf32> to vector<16xf32>
          %mul3A_173 = arith.mulf %get3A_160, %get3A_168 : vector<16xf32>
          %slice3A_174 = vector.extract_strided_slice %get3A_97 {offsets = [2], sizes = [1], strides = [1]} : vector<16xf32> to vector<1xf32>
          %squeeze3A_175 = vector.extract %slice3A_174[0] : f32 from vector<1xf32>
          %mul3A_176 = vector.broadcast %squeeze3A_175 : f32 to vector<16xf32>
          %mul3A_177 = arith.mulf %mul3A_173, %mul3A_176 : vector<16xf32>
          %add3A_178 = arith.addf %get3A_172, %mul3A_177 : vector<16xf32>
          %swap3A_179 = arith.index_cast %squeeze3A_92 : i32 to index
          %swap3A_180 = arith.constant 32 : index
          %swap3A_181 = tpu.vector_load %arg12[%swap3A_179, %swap3A_180] {strides = array<i32>} : memref<100x96xf32, #tpu.memory_space<vmem>>, vector<1x16xf32>,
          %swap3A_182 = vector.shape_cast %swap3A_181 : vector<1x16xf32> to vector<16xf32>
          %swap3A_183 = vector.shape_cast %add3A_178 : vector<16xf32> to vector<1x16xf32>
          tpu.vector_store %arg12[%swap3A_179, %swap3A_180], %swap3A_183 {strides = array<i32>} : memref<100x96xf32, #tpu.memory_space<vmem>>, vector<1x16xf32>,
          %mul3A_184 = arith.constant 2 : i32
          %mul3A_185 = arith.muli %mul3A_184, %scan3A_86 : i32
          %get3A_186 = arith.index_cast %mul3A_185 : i32 to index
          %get3A_187 = arith.constant 48 : index
          %get3A_188 = tpu.vector_load %arg11[%get3A_186, %get3A_187] {strides = array<i32>} : memref<128x96xf32, #tpu.memory_space<vmem>>, vector<1x16xf32>,
          %get3A_189 = vector.shape_cast %get3A_188 : vector<1x16xf32> to vector<16xf32>
          %mul3A_190 = arith.constant 2 : i32
          %mul3A_191 = arith.muli %mul3A_190, %scan3A_86 : i32
          %add3A_192 = arith.constant 1 : i32
          %add3A_193 = arith.addi %mul3A_191, %add3A_192 : i32
          %get3A_194 = arith.index_cast %add3A_193 : i32 to index
          %get3A_195 = arith.constant 48 : index
          %get3A_196 = tpu.vector_load %arg11[%get3A_194, %get3A_195] {strides = array<i32>} : memref<128x96xf32, #tpu.memory_space<vmem>>, vector<1x16xf32>,
          %get3A_197 = vector.shape_cast %get3A_196 : vector<1x16xf32> to vector<16xf32>
          %get3A_198 = arith.index_cast %squeeze3A_92 : i32 to index
          %get3A_199 = arith.constant 48 : index
          %get3A_200 = tpu.vector_load %arg12[%get3A_198, %get3A_199] {strides = array<i32>} : memref<100x96xf32, #tpu.memory_space<vmem>>, vector<1x16xf32>,
          %get3A_201 = vector.shape_cast %get3A_200 : vector<1x16xf32> to vector<16xf32>
          %mul3A_202 = arith.mulf %get3A_189, %get3A_197 : vector<16xf32>
          %slice3A_203 = vector.extract_strided_slice %get3A_97 {offsets = [3], sizes = [1], strides = [1]} : vector<16xf32> to vector<1xf32>
          %squeeze3A_204 = vector.extract %slice3A_203[0] : f32 from vector<1xf32>
          %mul3A_205 = vector.broadcast %squeeze3A_204 : f32 to vector<16xf32>
          %mul3A_206 = arith.mulf %mul3A_202, %mul3A_205 : vector<16xf32>
          %add3A_207 = arith.addf %get3A_201, %mul3A_206 : vector<16xf32>
          %swap3A_208 = arith.index_cast %squeeze3A_92 : i32 to index
          %swap3A_209 = arith.constant 48 : index
          %swap3A_210 = tpu.vector_load %arg12[%swap3A_208, %swap3A_209] {strides = array<i32>} : memref<100x96xf32, #tpu.memory_space<vmem>>, vector<1x16xf32>,
          %swap3A_211 = vector.shape_cast %swap3A_210 : vector<1x16xf32> to vector<16xf32>
          %swap3A_212 = vector.shape_cast %add3A_207 : vector<16xf32> to vector<1x16xf32>
          tpu.vector_store %arg12[%swap3A_208, %swap3A_209], %swap3A_212 {strides = array<i32>} : memref<100x96xf32, #tpu.memory_space<vmem>>, vector<1x16xf32>,
          %mul3A_213 = arith.constant 2 : i32
          %mul3A_214 = arith.muli %mul3A_213, %scan3A_86 : i32
          %get3A_215 = arith.index_cast %mul3A_214 : i32 to index
          %get3A_216 = arith.constant 64 : index
          %get3A_217 = tpu.vector_load %arg11[%get3A_215, %get3A_216] {strides = array<i32>} : memref<128x96xf32, #tpu.memory_space<vmem>>, vector<1x16xf32>,
          %get3A_218 = vector.shape_cast %get3A_217 : vector<1x16xf32> to vector<16xf32>
          %mul3A_219 = arith.constant 2 : i32
          %mul3A_220 = arith.muli %mul3A_219, %scan3A_86 : i32
          %add3A_221 = arith.constant 1 : i32
          %add3A_222 = arith.addi %mul3A_220, %add3A_221 : i32
          %get3A_223 = arith.index_cast %add3A_222 : i32 to index
          %get3A_224 = arith.constant 64 : index
          %get3A_225 = tpu.vector_load %arg11[%get3A_223, %get3A_224] {strides = array<i32>} : memref<128x96xf32, #tpu.memory_space<vmem>>, vector<1x16xf32>,
          %get3A_226 = vector.shape_cast %get3A_225 : vector<1x16xf32> to vector<16xf32>
          %get3A_227 = arith.index_cast %squeeze3A_92 : i32 to index
          %get3A_228 = arith.constant 64 : index
          %get3A_229 = tpu.vector_load %arg12[%get3A_227, %get3A_228] {strides = array<i32>} : memref<100x96xf32, #tpu.memory_space<vmem>>, vector<1x16xf32>,
          %get3A_230 = vector.shape_cast %get3A_229 : vector<1x16xf32> to vector<16xf32>
          %mul3A_231 = arith.mulf %get3A_218, %get3A_226 : vector<16xf32>
          %slice3A_232 = vector.extract_strided_slice %get3A_97 {offsets = [4], sizes = [1], strides = [1]} : vector<16xf32> to vector<1xf32>
          %squeeze3A_233 = vector.extract %slice3A_232[0] : f32 from vector<1xf32>
          %mul3A_234 = vector.broadcast %squeeze3A_233 : f32 to vector<16xf32>
          %mul3A_235 = arith.mulf %mul3A_231, %mul3A_234 : vector<16xf32>
          %add3A_236 = arith.addf %get3A_230, %mul3A_235 : vector<16xf32>
          %swap3A_237 = arith.index_cast %squeeze3A_92 : i32 to index
          %swap3A_238 = arith.constant 64 : index
          %swap3A_239 = tpu.vector_load %arg12[%swap3A_237, %swap3A_238] {strides = array<i32>} : memref<100x96xf32, #tpu.memory_space<vmem>>, vector<1x16xf32>,
          %swap3A_240 = vector.shape_cast %swap3A_239 : vector<1x16xf32> to vector<16xf32>
          %swap3A_241 = vector.shape_cast %add3A_236 : vector<16xf32> to vector<1x16xf32>
          tpu.vector_store %arg12[%swap3A_237, %swap3A_238], %swap3A_241 {strides = array<i32>} : memref<100x96xf32, #tpu.memory_space<vmem>>, vector<1x16xf32>,
          %mul3A_242 = arith.constant 2 : i32
          %mul3A_243 = arith.muli %mul3A_242, %scan3A_86 : i32
          %get3A_244 = arith.index_cast %mul3A_243 : i32 to index
          %get3A_245 = arith.constant 80 : index
          %get3A_246 = tpu.vector_load %arg11[%get3A_244, %get3A_245] {strides = array<i32>} : memref<128x96xf32, #tpu.memory_space<vmem>>, vector<1x16xf32>,
          %get3A_247 = vector.shape_cast %get3A_246 : vector<1x16xf32> to vector<16xf32>
          %mul3A_248 = arith.constant 2 : i32
          %mul3A_249 = arith.muli %mul3A_248, %scan3A_86 : i32
          %add3A_250 = arith.constant 1 : i32
          %add3A_251 = arith.addi %mul3A_249, %add3A_250 : i32
          %get3A_252 = arith.index_cast %add3A_251 : i32 to index
          %get3A_253 = arith.constant 80 : index
          %get3A_254 = tpu.vector_load %arg11[%get3A_252, %get3A_253] {strides = array<i32>} : memref<128x96xf32, #tpu.memory_space<vmem>>, vector<1x16xf32>,
          %get3A_255 = vector.shape_cast %get3A_254 : vector<1x16xf32> to vector<16xf32>
          %get3A_256 = arith.index_cast %squeeze3A_92 : i32 to index
          %get3A_257 = arith.constant 80 : index
          %get3A_258 = tpu.vector_load %arg12[%get3A_256, %get3A_257] {strides = array<i32>} : memref<100x96xf32, #tpu.memory_space<vmem>>, vector<1x16xf32>,
          %get3A_259 = vector.shape_cast %get3A_258 : vector<1x16xf32> to vector<16xf32>
          %mul3A_260 = arith.mulf %get3A_247, %get3A_255 : vector<16xf32>
          %slice3A_261 = vector.extract_strided_slice %get3A_97 {offsets = [5], sizes = [1], strides = [1]} : vector<16xf32> to vector<1xf32>
          %squeeze3A_262 = vector.extract %slice3A_261[0] : f32 from vector<1xf32>
          %mul3A_263 = vector.broadcast %squeeze3A_262 : f32 to vector<16xf32>
          %mul3A_264 = arith.mulf %mul3A_260, %mul3A_263 : vector<16xf32>
          %add3A_265 = arith.addf %get3A_259, %mul3A_264 : vector<16xf32>
          %swap3A_266 = arith.index_cast %squeeze3A_92 : i32 to index
          %swap3A_267 = arith.constant 80 : index
          %swap3A_268 = tpu.vector_load %arg12[%swap3A_266, %swap3A_267] {strides = array<i32>} : memref<100x96xf32, #tpu.memory_space<vmem>>, vector<1x16xf32>,
          %swap3A_269 = vector.shape_cast %swap3A_268 : vector<1x16xf32> to vector<16xf32>
          %swap3A_270 = vector.shape_cast %add3A_265 : vector<16xf32> to vector<1x16xf32>
          tpu.vector_store %arg12[%swap3A_266, %swap3A_267], %swap3A_270 {strides = array<i32>} : memref<100x96xf32, #tpu.memory_space<vmem>>, vector<1x16xf32>,
        }
        %scan3A_84 = arith.constant 64 : i32
        %cond3A_85 = arith.constant 0 : i32
        scf.yield %cond3A_85 : i32
      }
    }
    %scan3A_16 = arith.constant 80 : i32
    "tpu.region"() ({
      %run_scoped3A = tpu.sem_alloc : memref<!tpu.dma_semaphore, #tpu.memory_space<semaphore_mem>>
      %dma_start3A = arith.constant 0 : i32
      %dma_start3A_17 = arith.constant 0 : i32
      %dma_start3A_18 = tpu.memref_slice %arg6[%add3A, %dma_start3A, %dma_start3A_17] : memref<32x100x96xf32, #tpu.memory_space<hbm>> -> memref<1x100x96xf32, #tpu.memory_space<hbm>>
      %dma_start3A_19 = tpu.memref_squeeze %dma_start3A_18 : memref<1x100x96xf32, #tpu.memory_space<hbm>> -> memref<100x96xf32, #tpu.memory_space<hbm>>
      %dma_start3A_20 = arith.constant 0 : i32
      %dma_start3A_21 = arith.constant 0 : i32
      %dma_start3A_22 = tpu.memref_slice %arg6[%add3A, %dma_start3A_20, %dma_start3A_21] : memref<32x100x96xf32, #tpu.memory_space<hbm>> -> memref<1x100x96xf32, #tpu.memory_space<hbm>>
      %dma_start3A_23 = tpu.memref_squeeze %dma_start3A_22 : memref<1x100x96xf32, #tpu.memory_space<hbm>> -> memref<100x96xf32, #tpu.memory_space<hbm>>
      tpu.enqueue_dma source(%arg12 : memref<100x96xf32, #tpu.memory_space<vmem>>) target(%dma_start3A_23 : memref<100x96xf32, #tpu.memory_space<hbm>>) target_semaphore(%run_scoped3A : memref<!tpu.dma_semaphore, #tpu.memory_space<semaphore_mem>>)
      %dma_wait3A = arith.constant 0 : i32
      %dma_wait3A_24 = arith.constant 0 : i32
      %dma_wait3A_25 = tpu.memref_slice %arg6[%add3A, %dma_wait3A, %dma_wait3A_24] : memref<32x100x96xf32, #tpu.memory_space<hbm>> -> memref<1x100x96xf32, #tpu.memory_space<hbm>>
      %dma_wait3A_26 = tpu.memref_squeeze %dma_wait3A_25 : memref<1x100x96xf32, #tpu.memory_space<hbm>> -> memref<100x96xf32, #tpu.memory_space<hbm>>
      %dma_wait3A_27 = arith.constant 0 : i32
      %dma_wait3A_28 = arith.constant 0 : i32
      %dma_wait3A_29 = tpu.memref_slice %arg6[%add3A, %dma_wait3A_27, %dma_wait3A_28] : memref<32x100x96xf32, #tpu.memory_space<hbm>> -> memref<1x100x96xf32, #tpu.memory_space<hbm>>
      %dma_wait3A_30 = tpu.memref_squeeze %dma_wait3A_29 : memref<1x100x96xf32, #tpu.memory_space<hbm>> -> memref<100x96xf32, #tpu.memory_space<hbm>>
      tpu.wait_dma2 semaphore(%run_scoped3A : memref<!tpu.dma_semaphore, #tpu.memory_space<semaphore_mem>>) src(%arg12 : memref<100x96xf32, #tpu.memory_space<vmem>>) dst(%dma_wait3A_30 : memref<100x96xf32, #tpu.memory_space<hbm>>)
      tpu.yield
    }) : () -> ()
    return
  }
}

module attributes {stable_mosaic.version = 14 : i64} {
  func.func @_emb_body(%arg0: i32, %arg1: memref<1280x128xf32, #tpu.memory_space<vmem>>, %arg2: memref<128x8xf32, #tpu.memory_space<vmem>>, %arg3: memref<1x8xf32, #tpu.memory_space<vmem>>, %arg4: memref<1280x8xf32, #tpu.memory_space<vmem>>) attributes {dimension_semantics = [#tpu.dimension_semantics<arbitrary>], iteration_bounds = array<i64: 128>, scalar_prefetch = 0 : i64, scratch_operands = 0 : i64, tpu.core_type = #tpu.core_type<tc>, window_params = [{transform_indices = @transform_0, window_bounds = array<i64: 1280, 128>}, {pipeline_mode = #tpu.pipeline_mode<synchronous>, transform_indices = @transform_1, window_bounds = array<i64: 128, 8>}, {pipeline_mode = #tpu.pipeline_mode<synchronous>, transform_indices = @transform_2, window_bounds = array<i64: 1, 8>}, {transform_indices = @transform_3, window_bounds = array<i64: 1280, 8>}]} {
    %lt3A = arith.constant 125 : i32
    %lt3A_0 = arith.cmpi slt, %arg0, %lt3A : i32
    %convert_element_type3A = arith.extui %lt3A_0 : i1 to i32
    %cond3A = arith.constant 0 : i32
    %cond3A_1 = arith.cmpi ne, %convert_element_type3A, %cond3A : i32
    scf.if %cond3A_1 {
      %get3A = arith.constant 0 : index
      %get3A_6 = arith.constant 0 : index
      %get3A_7 = vector.load %arg1[%get3A, %get3A_6] : memref<1280x128xf32, #tpu.memory_space<vmem>>, vector<1280x128xf32>
      %get3A_8 = arith.constant 0 : index
      %get3A_9 = arith.constant 0 : index
      %get3A_10 = vector.load %arg2[%get3A_8, %get3A_9] : memref<128x8xf32, #tpu.memory_space<vmem>>, vector<128x8xf32>
      %dot_general3A = arith.constant dense<0.000000e+00> : vector<1280x8xf32>
      %dot_general3A_11 = tpu.matmul %get3A_7, %get3A_10, %dot_general3A {dimension_numbers = #tpu.dot_dimension_numbers<[1], [0], [0], [1], [0, 0, 1, 1], [], []>, transpose_lhs_hint = false} : vector<1280x128xf32>, vector<128x8xf32>, vector<1280x8xf32> -> vector<1280x8xf32>
      %get3A_12 = arith.constant 0 : index
      %get3A_13 = arith.constant 0 : index
      %get3A_14 = vector.load %arg3[%get3A_12, %get3A_13] : memref<1x8xf32, #tpu.memory_space<vmem>>, vector<1x8xf32>
      %add3A = vector.broadcast %get3A_14 : vector<1x8xf32> to vector<1280x8xf32>
      %add3A_15 = arith.addf %dot_general3A_11, %add3A : vector<1280x8xf32>
      %swap3A = arith.constant 0 : index
      %swap3A_16 = arith.constant 0 : index
      %swap3A_17 = vector.load %arg4[%swap3A, %swap3A_16] : memref<1280x8xf32, #tpu.memory_space<vmem>>, vector<1280x8xf32>
      tpu.vector_store %arg4[%swap3A, %swap3A_16], %add3A_15 {strides = array<i32>} : memref<1280x8xf32, #tpu.memory_space<vmem>>, vector<1280x8xf32>,
    } else {
    }
    %ge3A = arith.constant 125 : i32
    %ge3A_2 = arith.cmpi sge, %arg0, %ge3A : i32
    %convert_element_type3A_3 = arith.extui %ge3A_2 : i1 to i32
    %cond3A_4 = arith.constant 0 : i32
    %cond3A_5 = arith.cmpi ne, %convert_element_type3A_3, %cond3A_4 : i32
    scf.if %cond3A_5 {
      %broadcast_in_dim3A = arith.constant 0.000000e+00 : f32
      %broadcast_in_dim3A_6 = vector.broadcast %broadcast_in_dim3A : f32 to vector<1280x8xf32>
      %swap3A = arith.constant 0 : index
      %swap3A_7 = arith.constant 0 : index
      %swap3A_8 = vector.load %arg4[%swap3A, %swap3A_7] : memref<1280x8xf32, #tpu.memory_space<vmem>>, vector<1280x8xf32>
      tpu.vector_store %arg4[%swap3A, %swap3A_7], %broadcast_in_dim3A_6 {strides = array<i32>} : memref<1280x8xf32, #tpu.memory_space<vmem>>, vector<1280x8xf32>,
    } else {
    }
    return
  }
  func.func @transform_0(%arg0: i32) -> (i32, i32) {
    %min3A = arith.constant 124 : i32
    %min3A_0 = arith.minsi %arg0, %min3A : i32
    %c0_i32 = arith.constant 0 : i32
    %c0_i32_1 = arith.constant 0 : i32
    return %min3A_0, %c0_i32 : i32, i32
  }
  func.func @transform_1(%arg0: i32) -> (i32, i32) {
    %c0_i32 = arith.constant 0 : i32
    %c0_i32_0 = arith.constant 0 : i32
    %c0_i32_1 = arith.constant 0 : i32
    return %c0_i32, %c0_i32_0 : i32, i32
  }
  func.func @transform_2(%arg0: i32) -> (i32, i32) {
    %c0_i32 = arith.constant 0 : i32
    %c0_i32_0 = arith.constant 0 : i32
    %c0_i32_1 = arith.constant 0 : i32
    return %c0_i32, %c0_i32_0 : i32, i32
  }
  func.func @transform_3(%arg0: i32) -> (i32, i32) {
    %c0_i32 = arith.constant 0 : i32
    %c0_i32_0 = arith.constant 0 : i32
    return %arg0, %c0_i32 : i32, i32
  }
}

module attributes {stable_mosaic.version = 14 : i64} {
  func.func @_table_body(%arg0: i32, %arg1: memref<400x1xf32, #tpu.memory_space<vmem>>, %arg2: memref<400x3xf32, #tpu.memory_space<vmem>>, %arg3: memref<16x3xf32, #tpu.memory_space<vmem>>, %arg4: memref<400x96xf32, #tpu.memory_space<vmem>>) attributes {dimension_semantics = [#tpu.dimension_semantics<arbitrary>], iteration_bounds = array<i64: 25>, scalar_prefetch = 0 : i64, scratch_operands = 0 : i64, tpu.core_type = #tpu.core_type<tc>, window_params = [{transform_indices = @transform_0, window_bounds = array<i64: 400, 1>}, {transform_indices = @transform_1, window_bounds = array<i64: 400, 3>}, {pipeline_mode = #tpu.pipeline_mode<synchronous>, transform_indices = @transform_2, window_bounds = array<i64: 16, 3>}, {transform_indices = @transform_3, window_bounds = array<i64: 400, 96>}]} {
    %get3A = arith.constant 0 : index
    %get3A_0 = arith.constant 0 : index
    %get3A_1 = vector.load %arg1[%get3A, %get3A_0] : memref<400x1xf32, #tpu.memory_space<vmem>>, vector<400x1xf32>
    %get3A_2 = arith.constant 0 : index
    %get3A_3 = arith.constant 0 : index
    %get3A_4 = vector.load %arg2[%get3A_2, %get3A_3] : memref<400x3xf32, #tpu.memory_space<vmem>>, vector<400x3xf32>
    %get3A_5 = arith.constant 0 : index
    %get3A_6 = arith.constant 0 : index
    %get3A_7 = vector.load %arg3[%get3A_5, %get3A_6] : memref<16x3xf32, #tpu.memory_space<vmem>>, vector<16x3xf32>
    %broadcast_in_dim3A = vector.shape_cast %get3A_4 : vector<400x3xf32> to vector<400x1x3xf32>
    %broadcast_in_dim3A_8 = vector.shape_cast %get3A_7 : vector<16x3xf32> to vector<1x16x3xf32>
    %sub3A = vector.broadcast %broadcast_in_dim3A : vector<400x1x3xf32> to vector<400x16x3xf32>
    %sub3A_9 = vector.broadcast %broadcast_in_dim3A_8 : vector<1x16x3xf32> to vector<400x16x3xf32>
    %sub3A_10 = arith.subf %sub3A, %sub3A_9 : vector<400x16x3xf32>
    %mul3A = arith.mulf %sub3A_10, %sub3A_10 : vector<400x16x3xf32>
    %reduce_sum3A = arith.constant dense<0.000000e+00> : vector<400x16xf32>
    %reduce_sum3A_11 = vector.multi_reduction <add>, %mul3A, %reduce_sum3A [2] : vector<400x16x3xf32> to vector<400x16xf32>
    %sqrt3A = math.sqrt %reduce_sum3A_11 : vector<400x16xf32>
    %mul3A_12 = arith.mulf %get3A_4, %get3A_4 : vector<400x3xf32>
    %reduce_sum3A_13 = arith.constant dense<0.000000e+00> : vector<400xf32>
    %reduce_sum3A_14 = vector.multi_reduction <add>, %mul3A_12, %reduce_sum3A_13 [1] : vector<400x3xf32> to vector<400xf32>
    %sqrt3A_15 = math.sqrt %reduce_sum3A_14 : vector<400xf32>
    %mul3A_16 = arith.constant 0.00999999977 : f32
    %mul3A_17 = vector.broadcast %mul3A_16 : f32 to vector<400xf32>
    %mul3A_18 = arith.mulf %mul3A_17, %sqrt3A_15 : vector<400xf32>
    %add3A = arith.constant 1.000000e+00 : f32
    %add3A_19 = vector.broadcast %add3A : f32 to vector<400xf32>
    %add3A_20 = arith.addf %add3A_19, %mul3A_18 : vector<400xf32>
    %iota3A = tpu.iota {dimensions = array<i32: 0>} : vector<4x4xi32>
    %iota3A_21 = tpu.iota {dimensions = array<i32: 1>} : vector<4x4xi32>
    %mul3A_22 = arith.constant 4 : i32
    %mul3A_23 = vector.broadcast %mul3A_22 : i32 to vector<4x4xi32>
    %mul3A_24 = arith.muli %mul3A_23, %iota3A : vector<4x4xi32>
    %add3A_25 = arith.addi %mul3A_24, %iota3A_21 : vector<4x4xi32>
    %convert_element_type3A = arith.sitofp %add3A_25 : vector<4x4xi32> to vector<4x4xf32>
    %mul3A_26 = arith.constant 1.000000e-01 : f32
    %mul3A_27 = vector.broadcast %mul3A_26 : f32 to vector<4x4xf32>
    %mul3A_28 = arith.mulf %mul3A_27, %convert_element_type3A : vector<4x4xf32>
    %add3A_29 = arith.constant 5.000000e-01 : f32
    %add3A_30 = vector.broadcast %add3A_29 : f32 to vector<4x4xf32>
    %add3A_31 = arith.addf %add3A_30, %mul3A_28 : vector<4x4xf32>
    %squeeze3A = vector.shape_cast %get3A_1 : vector<400x1xf32> to vector<400xf32>
    %add3A_32 = arith.constant 1.000000e+00 : f32
    %add3A_33 = vector.broadcast %add3A_32 : f32 to vector<400xf32>
    %add3A_34 = arith.addf %squeeze3A, %add3A_33 : vector<400xf32>
    %mul3A_35 = arith.constant 1.000000e-01 : f32
    %mul3A_36 = vector.broadcast %mul3A_35 : f32 to vector<400xf32>
    %mul3A_37 = arith.mulf %mul3A_36, %add3A_34 : vector<400xf32>
    %mul3A_38 = arith.mulf %mul3A_37, %add3A_20 : vector<400xf32>
    %broadcast_in_dim3A_39 = vector.shape_cast %mul3A_38 : vector<400xf32> to vector<400x1x1xf32>
    %broadcast_in_dim3A_40 = vector.shape_cast %add3A_31 : vector<4x4xf32> to vector<1x4x4xf32>
    %mul3A_41 = vector.broadcast %broadcast_in_dim3A_39 : vector<400x1x1xf32> to vector<400x4x4xf32>
    %mul3A_42 = vector.broadcast %broadcast_in_dim3A_40 : vector<1x4x4xf32> to vector<400x4x4xf32>
    %mul3A_43 = arith.mulf %mul3A_41, %mul3A_42 : vector<400x4x4xf32>
    %broadcast_in_dim3A_44 = vector.shape_cast %mul3A_43 : vector<400x4x4xf32> to vector<400x4x1x4xf32>
    %broadcast_in_dim3A_45 = vector.shape_cast %sqrt3A : vector<400x16xf32> to vector<400x1x16x1xf32>
    %mul3A_46 = vector.broadcast %broadcast_in_dim3A_44 : vector<400x4x1x4xf32> to vector<400x4x16x4xf32>
    %mul3A_47 = vector.broadcast %broadcast_in_dim3A_45 : vector<400x1x16x1xf32> to vector<400x4x16x4xf32>
    %mul3A_48 = arith.mulf %mul3A_46, %mul3A_47 : vector<400x4x16x4xf32>
    %broadcast_in_dim3A_49 = vector.shape_cast %mul3A_43 : vector<400x4x4xf32> to vector<400x4x1x4xf32>
    %neg3A = arith.constant 0.000000e+00 : f32
    %neg3A_50 = vector.broadcast %neg3A : f32 to vector<400x4x16x4xf32>
    %neg3A_51 = arith.subf %neg3A_50, %mul3A_48 : vector<400x4x16x4xf32>
    %exp3A = math.exp %neg3A_51 : vector<400x4x16x4xf32>
    %mul3A_52 = vector.broadcast %broadcast_in_dim3A_49 : vector<400x4x1x4xf32> to vector<400x4x16x4xf32>
    %mul3A_53 = arith.mulf %mul3A_52, %exp3A : vector<400x4x16x4xf32>
    %reduce_sum3A_54 = arith.constant dense<0.000000e+00> : vector<400x4x16xf32>
    %reduce_sum3A_55 = vector.multi_reduction <add>, %mul3A_53, %reduce_sum3A_54 [3] : vector<400x4x16x4xf32> to vector<400x4x16xf32>
    %slice3A = vector.extract_strided_slice %reduce_sum3A_55 {offsets = [0, 0, 0], sizes = [400, 1, 16], strides = [1, 1, 1]} : vector<400x4x16xf32> to vector<400x1x16xf32>
    %squeeze3A_56 = vector.shape_cast %slice3A : vector<400x1x16xf32> to vector<400x16xf32>
    %slice3A_57 = vector.extract_strided_slice %reduce_sum3A_55 {offsets = [0, 1, 0], sizes = [400, 1, 16], strides = [1, 1, 1]} : vector<400x4x16xf32> to vector<400x1x16xf32>
    %squeeze3A_58 = vector.shape_cast %slice3A_57 : vector<400x1x16xf32> to vector<400x16xf32>
    %mul3A_59 = arith.mulf %squeeze3A_56, %squeeze3A_58 : vector<400x16xf32>
    %slice3A_60 = vector.extract_strided_slice %reduce_sum3A_55 {offsets = [0, 0, 0], sizes = [400, 1, 16], strides = [1, 1, 1]} : vector<400x4x16xf32> to vector<400x1x16xf32>
    %squeeze3A_61 = vector.shape_cast %slice3A_60 : vector<400x1x16xf32> to vector<400x16xf32>
    %slice3A_62 = vector.extract_strided_slice %reduce_sum3A_55 {offsets = [0, 2, 0], sizes = [400, 1, 16], strides = [1, 1, 1]} : vector<400x4x16xf32> to vector<400x1x16xf32>
    %squeeze3A_63 = vector.shape_cast %slice3A_62 : vector<400x1x16xf32> to vector<400x16xf32>
    %mul3A_64 = arith.mulf %squeeze3A_61, %squeeze3A_63 : vector<400x16xf32>
    %slice3A_65 = vector.extract_strided_slice %reduce_sum3A_55 {offsets = [0, 0, 0], sizes = [400, 1, 16], strides = [1, 1, 1]} : vector<400x4x16xf32> to vector<400x1x16xf32>
    %squeeze3A_66 = vector.shape_cast %slice3A_65 : vector<400x1x16xf32> to vector<400x16xf32>
    %slice3A_67 = vector.extract_strided_slice %reduce_sum3A_55 {offsets = [0, 3, 0], sizes = [400, 1, 16], strides = [1, 1, 1]} : vector<400x4x16xf32> to vector<400x1x16xf32>
    %squeeze3A_68 = vector.shape_cast %slice3A_67 : vector<400x1x16xf32> to vector<400x16xf32>
    %mul3A_69 = arith.mulf %squeeze3A_66, %squeeze3A_68 : vector<400x16xf32>
    %slice3A_70 = vector.extract_strided_slice %reduce_sum3A_55 {offsets = [0, 1, 0], sizes = [400, 1, 16], strides = [1, 1, 1]} : vector<400x4x16xf32> to vector<400x1x16xf32>
    %squeeze3A_71 = vector.shape_cast %slice3A_70 : vector<400x1x16xf32> to vector<400x16xf32>
    %slice3A_72 = vector.extract_strided_slice %reduce_sum3A_55 {offsets = [0, 2, 0], sizes = [400, 1, 16], strides = [1, 1, 1]} : vector<400x4x16xf32> to vector<400x1x16xf32>
    %squeeze3A_73 = vector.shape_cast %slice3A_72 : vector<400x1x16xf32> to vector<400x16xf32>
    %mul3A_74 = arith.mulf %squeeze3A_71, %squeeze3A_73 : vector<400x16xf32>
    %slice3A_75 = vector.extract_strided_slice %reduce_sum3A_55 {offsets = [0, 1, 0], sizes = [400, 1, 16], strides = [1, 1, 1]} : vector<400x4x16xf32> to vector<400x1x16xf32>
    %squeeze3A_76 = vector.shape_cast %slice3A_75 : vector<400x1x16xf32> to vector<400x16xf32>
    %slice3A_77 = vector.extract_strided_slice %reduce_sum3A_55 {offsets = [0, 3, 0], sizes = [400, 1, 16], strides = [1, 1, 1]} : vector<400x4x16xf32> to vector<400x1x16xf32>
    %squeeze3A_78 = vector.shape_cast %slice3A_77 : vector<400x1x16xf32> to vector<400x16xf32>
    %mul3A_79 = arith.mulf %squeeze3A_76, %squeeze3A_78 : vector<400x16xf32>
    %slice3A_80 = vector.extract_strided_slice %reduce_sum3A_55 {offsets = [0, 2, 0], sizes = [400, 1, 16], strides = [1, 1, 1]} : vector<400x4x16xf32> to vector<400x1x16xf32>
    %squeeze3A_81 = vector.shape_cast %slice3A_80 : vector<400x1x16xf32> to vector<400x16xf32>
    %slice3A_82 = vector.extract_strided_slice %reduce_sum3A_55 {offsets = [0, 3, 0], sizes = [400, 1, 16], strides = [1, 1, 1]} : vector<400x4x16xf32> to vector<400x1x16xf32>
    %squeeze3A_83 = vector.shape_cast %slice3A_82 : vector<400x1x16xf32> to vector<400x16xf32>
    %mul3A_84 = arith.mulf %squeeze3A_81, %squeeze3A_83 : vector<400x16xf32>
    %concatenate3A = tpu.concatenate %mul3A_59, %mul3A_64, %mul3A_69, %mul3A_74, %mul3A_79, %mul3A_84 in 1 : vector<400x16xf32>, vector<400x16xf32>, vector<400x16xf32>, vector<400x16xf32>, vector<400x16xf32>, vector<400x16xf32> -> vector<400x96xf32>
    %swap3A = arith.constant 0 : index
    %swap3A_85 = arith.constant 0 : index
    %swap3A_86 = vector.load %arg4[%swap3A, %swap3A_85] : memref<400x96xf32, #tpu.memory_space<vmem>>, vector<400x96xf32>
    tpu.vector_store %arg4[%swap3A, %swap3A_85], %concatenate3A {strides = array<i32>} : memref<400x96xf32, #tpu.memory_space<vmem>>, vector<400x96xf32>,
    return
  }
  func.func @transform_0(%arg0: i32) -> (i32, i32) {
    %c0_i32 = arith.constant 0 : i32
    %c0_i32_0 = arith.constant 0 : i32
    return %arg0, %c0_i32 : i32, i32
  }
  func.func @transform_1(%arg0: i32) -> (i32, i32) {
    %c0_i32 = arith.constant 0 : i32
    %c0_i32_0 = arith.constant 0 : i32
    return %arg0, %c0_i32 : i32, i32
  }
  func.func @transform_2(%arg0: i32) -> (i32, i32) {
    %c0_i32 = arith.constant 0 : i32
    %c0_i32_0 = arith.constant 0 : i32
    %c0_i32_1 = arith.constant 0 : i32
    return %c0_i32, %c0_i32_0 : i32, i32
  }
  func.func @transform_3(%arg0: i32) -> (i32, i32) {
    %c0_i32 = arith.constant 0 : i32
    %c0_i32_0 = arith.constant 0 : i32
    return %arg0, %c0_i32 : i32, i32
  }
}

module attributes {stable_mosaic.version = 14 : i64} {
  func.func @_reduce_body(%arg0: memref<32x100x96xf32, #tpu.memory_space<vmem>>, %arg1: memref<100x96xf32, #tpu.memory_space<vmem>>) attributes {dimension_semantics = [], scalar_prefetch = 0 : i64, scratch_operands = 0 : i64, tpu.core_type = #tpu.core_type<tc>} {
    %get3A = arith.constant 0 : index
    %get3A_0 = arith.constant 0 : index
    %get3A_1 = arith.constant 0 : index
    %get3A_2 = vector.load %arg0[%get3A, %get3A_0, %get3A_1] : memref<32x100x96xf32, #tpu.memory_space<vmem>>, vector<32x100x96xf32>
    %reduce_sum3A = arith.constant dense<0.000000e+00> : vector<100x96xf32>
    %reduce_sum3A_3 = vector.multi_reduction <add>, %get3A_2, %reduce_sum3A [0] : vector<32x100x96xf32> to vector<100x96xf32>
    %swap3A = arith.constant 0 : index
    %swap3A_4 = arith.constant 0 : index
    %swap3A_5 = vector.load %arg1[%swap3A, %swap3A_4] : memref<100x96xf32, #tpu.memory_space<vmem>>, vector<100x96xf32>
    tpu.vector_store %arg1[%swap3A, %swap3A_4], %reduce_sum3A_3 {strides = array<i32>} : memref<100x96xf32, #tpu.memory_space<vmem>>, vector<100x96xf32>,
    return
  }
}

</mosaic_0001>

<sc_bundles>
// kernel: kernel.6.cloned.1.call-start
scs
__scs_entry_jumppad:
0x0: {  	(pc) =	sbr.rel $0x88, $3  }
0x1: {  	(tag) =	ssettag $0x0;
	lr =	simm.s32 $0x1  }
0x2: {  	[smem:$0x3F99] =	sst lr;
	_ =	strace $0xD0000000  }
0x3: {  	_ = 	snop  }
0x4: {  	_ = 	snop  }
0x5: {  	_ = 	snop  }
0x6: {  	_ = 	snop  }
0x7: {  	_ = 	snop  }
__scs_overlays_trampoline_lowered:
0x8: {  	[smem:$0x3FA8] =	sst s0  }
0x9: {  	[smem:$0x3FA9] =	sst s1  }
0xa: {  	[smem:$0x3FAA] =	sst s2  }
0xb: {  	[smem:$0x3FAB] =	sst s3  }
0xc: {  	[smem:$0x3FAC] =	sst s4  }
0xd: {  	[smem:$0x3FAD] =	sst s5  }
0xe: {  	[smem:$0x3FAE] =	sst s6  }
0xf: {  	[smem:$0x3FAF] =	sst s7  }
0x10: {  	[smem:$0x3FB0] =	sst s8  }
0x11: {  	[smem:$0x3FB1] =	sst s9;
	s0 =	simm.s32 @!p0 $0x0  }
0x12: {  	s1 =	sld [smem:$0x3F97];
	s0 =	simm.s32 @p0 $0x1  }
0x13: {  	[smem:$0x3FB2] =	sst s0;
	s0 =	simm.s32 @!p1 $0x0  }
0x14: {  	s2 =	sld [smem:$0x3F96];
	s0 =	simm.s32 @p1 $0x1  }
0x15: {  	[smem:$0x3FB3] =	sst s0;
	s0 =	simm.s32 @!p2 $0x0  }
0x16: {  	s3 =	sld [smem:$0x3FDB];
	s0 =	simm.s32 @p2 $0x1  }
0x17: {  	s4 =	simm.s32 $0x1BF5;
	[smem:$0x3FB5] =	sst s0  }
0x18: {  	s0 =	sld [smem:$0x3F98];
	_ =	swait.ge [sflag:s4], $0x0  }
0x19: {  	s7 =	sld [smem:$0x3F99]  }
0x1a: {  	s8 =	sadd.s32 $0xFFFFE003, lr  }
0x1b: {  	s9 =	sadd.s32 $0xFFFFFEF7, lr;
	s5 =	simm.s32 $0xFFFFFFFF;
	p2 =	slt.u32 s8, $0xFFFFF086  }
0x1c: {  	p1 =	slt.u32 s9, $0xF7A;
	s5 =	simm.s32 @!p2 $0x0  }
0x1d: {  	s5 =	simm.s32 @p1 $0x1;
	p0 =	seq.s32 s7, s2  }
0x1e: {  	s7 =	smul.u32 @!p0 $0xF7A, s2;
	p2 =	seq.s32 @!p0 s5, $0x0  }
0x1f: {  	s9 =	smul.u32 $0xF7A, s1;
	s8 =	simm.s32 @!p0 $0x1BF5;
	p2 =	por !p2, p0  }
0x20: {  	[sflag:s8] =	ssyncset.s32 @!p0 $0xFFFFF086;
	s6 =	sadd.s32 @!p0 s3, s7;
	s7 =	simm.s32 @!p0 $0x108  }
0x21: {  	s3 =	sadd.s32 s3, s9;
	s6 =	sadd.s32 @!p0 $0x88, s6;
	s7 =	simm.s32 @p2 $0x1082  }
0x22: {  	[simem:s7], [sflag:s8] =	dma.local @!p0 [hbm:s6], $0xF7A  }
0x23: {  	s9 =	sor.u32 $0xD0000000, s2;
	s6 =	simm.s32 $0x108;
	_ =	swait.ge @!p0 [sflag:s8], $0x0  }
0x24: {  	s3 =	sadd.s32 $0x88, s3;
	s6 =	simm.s32 @!p1 $0x1082;
	[sflag:s4] =	ssyncset.s32 $0xFFFFF086  }
0x25: {  	[simem:s6], [sflag:s4] =	dma.local [hbm:s3], $0xF7A  }
0x26: {  	[smem:$0x3F99] =	sst s1;
	(tag) =	ssettag s2;
	_ =	strace s9  }
0x27: {  	s1 =	sld [smem:$0x3FA9]  }
0x28: {  	s2 =	sld [smem:$0x3FAA]  }
0x29: {  	s4 =	sld [smem:$0x3FAC]  }
0x2a: {  	p0 =	seq.s32 s5, $0x0;
	s5 =	sld [smem:$0x3FAD]  }
0x2b: {  	s6 =	sld [smem:$0x3FAE]  }
0x2c: {  	s7 =	sld [smem:$0x3FAF]  }
0x2d: {  	s3 =	simm.s32 $0x108;
	s8 =	sld [smem:$0x3FB0]  }
0x2e: {  	s3 =	simm.s32 @!p0 $0x1082;
	s9 =	sld [smem:$0x3FB1]  }
0x2f: {  	lr =	sadd.s32 s0, s3;
	s0 =	sld [smem:$0x3FA8]  }
0x30: {  	s3 =	sld [smem:$0x3FAB]  }
0x31: {  	[smem:$0x3FB4] =	sst s10  }
0x32: {  	s10 =	sld [smem:$0x3FB2];
	_ =	sdelay $0x3  }
0x33: {  	p0 =	seq.s32 s10, $0x1;
	s10 =	sld [smem:$0x3FB4];
	_ =	sdelay $0x3  }
0x34: {  	[smem:$0x3FB4] =	sst s10  }
0x35: {  	s10 =	sld [smem:$0x3FB3];
	_ =	sdelay $0x3  }
0x36: {  	p1 =	seq.s32 s10, $0x1;
	s10 =	sld [smem:$0x3FB4];
	_ =	sdelay $0x3  }
0x37: {  	[smem:$0x3FB4] =	sst s10  }
0x38: {  	s10 =	sld [smem:$0x3FB5]  }
0x39: {  	_ = 	snop;
	(pc) =	sbr.ind lr, $3  }
0x3a: {  	_ = 	snop  }
0x3b: {  	_ = 	snop  }
0x3c: {  	p2 =	seq.s32 s10, $0x1;
	s10 =	sld [smem:$0x3FB4]  }
0x3d: {  	_ =	shalt  }
0x3e: {  	_ =	shalt  }
0x3f: {  	_ =	shalt  }
0x40: {  	_ =	shalt  }
0x41: {  	_ =	shalt  }
0x42: {  	_ =	shalt  }
0x43: {  	_ =	shalt  }
0x44: {  	_ =	shalt  }
0x45: {  	_ =	shalt  }
0x46: {  	_ =	shalt  }
0x47: {  	_ =	shalt  }
0x48: {  	_ =	shalt  }
0x49: {  	_ =	shalt  }
0x4a: {  	_ =	shalt  }
0x4b: {  	_ =	shalt  }
0x4c: {  	_ =	shalt  }
0x4d: {  	_ =	shalt  }
0x4e: {  	_ =	shalt  }
0x4f: {  	_ =	shalt  }
0x50: {  	_ =	shalt  }
0x51: {  	_ =	shalt  }
0x52: {  	_ =	shalt  }
0x53: {  	_ =	shalt  }
0x54: {  	_ =	shalt  }
0x55: {  	_ =	shalt  }
0x56: {  	_ =	shalt  }
0x57: {  	_ =	shalt  }
0x58: {  	_ =	shalt  }
0x59: {  	_ =	shalt  }
0x5a: {  	_ =	shalt  }
0x5b: {  	_ =	shalt  }
0x5c: {  	_ =	shalt  }
0x5d: {  	_ =	shalt  }
0x5e: {  	_ =	shalt  }
0x5f: {  	_ =	shalt  }
0x60: {  	_ =	shalt  }
0x61: {  	_ =	shalt  }
0x62: {  	_ =	shalt  }
0x63: {  	_ =	shalt  }
0x64: {  	_ =	shalt  }
0x65: {  	_ =	shalt  }
0x66: {  	_ =	shalt  }
0x67: {  	_ =	shalt  }
0x68: {  	_ =	shalt  }
0x69: {  	_ =	shalt  }
0x6a: {  	_ =	shalt  }
0x6b: {  	_ =	shalt  }
0x6c: {  	_ =	shalt  }
0x6d: {  	_ =	shalt  }
0x6e: {  	_ =	shalt  }
0x6f: {  	_ =	shalt  }
0x70: {  	_ =	shalt  }
0x71: {  	_ =	shalt  }
0x72: {  	_ =	shalt  }
0x73: {  	_ =	shalt  }
0x74: {  	_ =	shalt  }
0x75: {  	_ =	shalt  }
0x76: {  	_ =	shalt  }
0x77: {  	_ =	shalt  }
0x78: {  	_ =	shalt  }
0x79: {  	_ =	shalt  }
0x7a: {  	_ =	shalt  }
0x7b: {  	_ =	shalt  }
0x7c: {  	_ =	shalt  }
0x7d: {  	_ =	shalt  }
0x7e: {  	_ =	shalt  }
0x7f: {  	_ =	shalt  }
0x80: {  	_ =	shalt  }
0x81: {  	_ =	shalt  }
0x82: {  	_ =	shalt  }
0x83: {  	_ =	shalt  }
0x84: {  	_ =	shalt  }
0x85: {  	_ =	shalt  }
0x86: {  	_ =	shalt  }
0x87: {  	_ =	shalt  }
.Lfunc_end0:
.L_simem_size_0:
called_computation_lowered:
.L_overlay_start_0:
0x88: {  	s2 =	sld [smem:$0x3FD9]  }
0x89: {  	s3 =	sld [smem:$0x3FFE];
	_ =	sdelay $0x1  }
0x8a: {  	s1 =	srdreg.scid  }
0x8b: {  	s0 =	sand.u32 $0x1, s1  }
0x8c: {  	s16 =	sshll.u32 s0, $0xA;
	s2 =	sadd.s32 s3, s2  }
0x8d: {  	s2 =	sadd.s32 s2, s16  }
0x8e: {  	[smem:$0x3FC0] =	sst s2  }
0x8f: {  	_ = 	snop  }
0x90: {  	(tm) =	ssettm $0x1  }
0x91: {  	s17 =	sld [smem:$0x3FFB];
	_ =	sdelay $0x3  }
0x92: {  	_ =	strace s17  }
0x93: {  	s2 =	sld [smem:$0x3FFC];
	_ =	sdelay $0x3  }
0x94: {  	_ =	strace s2  }
0x95: {  	s2 =	sld [smem:$0x3FFD];
	_ =	sdelay $0x3  }
0x96: {  	_ =	strace s2  }
0x97: {  	_ =	strace $0x8FFFFFFF  }
0x98: {  	s18 =	sld [smem:$0x3FDB];
	_ =	sdelay $0x1  }
0x99: {  	s19 =	simm.s32 $_scs_section_size  }
0x9a: {  	s4 =	simm.s32 $_size__tile_overlayer_lowered;
	s5 =	simm.s32 $_tile_overlayer_lowered  }
0x9b: {  	s22 =	simm.s32 $0x1BFF;
	s21 =	sshll.u32 s5, $0x1;
	s2 =	sadd.s32 s19, s18  }
0x9c: {  	s6 =	simm.s32 $0x0;
	s20 =	sshll.u32 s4, $0x1;
	s4 =	sadd.s32 s21, s2  }
0x9d: {  	[timem:s6], [sflag:s22] =	dma.local [hbm:s4], s20  }
0x9e: {  	_ =	swait.ge [sflag:s22], s20  }
0x9f: {  	s3 =	ssub.s32 $0x0, s20;
	[sflag:s22] =	ssyncset.done $0x0  }
0xa0: {  	[sflag:s22] =	ssyncadd.s32 s3;
	_ =	sdelay $0x1  }
0xa1: {  	s23 =	simm.s32 $0x1B8B  }
0xa2: {  	_ =	swait.ge [sflag:s23], $0x1  }
0xa3: {  	[sflag:s23] =	ssyncset.done $0x0  }
0xa4: {  	s25 =	simm.s32 $0x1B8E;
	s24 =	sld [smem:$0x3FFE];
	[sflag:s23] =	ssyncadd.s32 $0xFFFFFFFF  }
0xa5: {  	s26 =	simm.s32 $execute0_lowered;
	[smem:$0x3FD2] =	sst s25  }
0xa6: {  	s4 =	sshll.u32 s26, $0x1;
	_ =	strace $0x80000046;
	[dreg:$0x1] =	wrdreg $0xFFFFFFFF  }
0xa7: {  	s28 =	simm.s32 $_size_execute0_lowered;
	s2 =	sadd.s32 s2, s4;
	[dreg:$0x0] =	wrdreg $0x0  }
0xa8: {  	s4 =	sshll.u32 s28, $0x1;
	[dreg:$0x2] =	wrdreg s2  }
0xa9: {  	[dreg:$0x3] =	wrdreg s4  }
0xaa: {  	[dreg:$0x4] =	wrdreg $0xC0  }
0xab: {  	_ =	task [dreg:s6], $0x5FFFF  }
0xac: {  	[dreg:$0x1] =	wrdreg $0xFFFFFFFF  }
0xad: {  	[dreg:$0x0] =	wrdreg $0x60  }
0xae: {  	[dreg:$0x2] =	wrdreg s24  }
0xaf: {  	[dreg:$0x3] =	wrdreg $0x0  }
0xb0: {  	[dreg:$0x4] =	wrdreg $0x9  }
0xb1: {  	_ =	task.clear_ibuf [dreg:s6], $0x5FFFF;
	_ =	strace $0x90000046  }
0xb2: {  	s29 =	simm.s32 $0x9;
	_ =	strace $0x80000048  }
0xb3: {  	_ =	swait.ge [sflag:s29], $0x1  }
0xb4: {  	[sflag:s29] =	ssyncadd.s32 $0xFFFFFFFF  }
0xb5: {  	_ =	strace $0x90000048  }
0xb6: {  	_ =	sfence  }
0xb7: {  	s30 =	sld [smem:$0x0];
	_ =	sdelay $0x2  }
0xb8: {  	s31 =	sshll.u32 s1, $0xD;
	s1 =	sshrl.u32 s1, $0x2  }
0xb9: {  	s3 =	sand.u32 $0x4000, s31;
	s1 =	sadd.s32 s1, s30  }
0xba: {  	s0 =	sor.u32 s3, s0;
	s1 =	sshll.u32 s1, $0x11  }
0xbb: {  	s0 =	sor.u32 s1, s0  }
0xbc: {  	s0 =	sadd.s32 $0x8F2B, s0  }
0xbd: {  	[sflag:s0] =	ssyncadd.remote.s32 $0x1  }
0xbe: {  	_ =	sfence.sel $0xFFFF  }
0xbf: {  	[dreg:$0x0] =	wrdreg $0xFFFFFFFF;
	(pc) =	sbr.abs _section_cstart, $3  }
0xc0: {  	[dreg:$0x1] =	wrdreg $0xFFFFFFFF  }
0xc1: {  	_ =	task.clear_ibuf [dreg:s6], $0x2FFFF;
	_ =	strace $0x9FFFFFFF  }
0xc2: {  	(tm) =	ssettm $0x7FFFFFFF  }
0xc3: {  	_ =	shalt  }
tec
execute0_lowered:
.L_overlay_start_1:
0x0: {  	(tag) =	ssettag $0x1  }
0x1: {  	s0 =	stileid.u32;
	s4 =	rddreg [dreg:$0x0]  }
0x2: {  	s1 =	srdreg.scid;
	s2 =	rddreg [dreg:$0x1];
	s3 =	simm.s32 $0x0  }
0x3: {  	s15 =	simm.s32 $0x80;
	s16 =	simm.s32 $0x12880;
	s17 =	simm.s32 $0x1  }
0x4: {  	s18 =	simm.s32 $0x15880;
	s5 =	sand.u32 $0x1, s1;
	s30 =	sshll.u32 s0, $0x1  }
0x5: {  	s6 =	smul.u32 $0xEA60, s0;
	s1 =	rddreg [dreg:$0x2];
	s7 =	sor.u32 s5, s30  }
0x6: {  	s19 =	simm.s32 $0x0;
	[smem:$0x7FF] =	sst s3;
	s8 =	smul.u32 $0x500, s7  }
0x7: {  	s31 =	sshll.u32 s0, $0x6;
	_ =	strace $0x80000047;
	s9 =	smul.u32 $0x280, s7  }
0x8: {  	s5 =	ssub.s32 $0x2, s5;
	s10 =	sshrl.u32 s6, $0x3;
	s11 =	smul.u32 $0x1400, s7  }
0x9: {  	s7 =	smul.u32 $0x4B0, s7;
	s12 =	sshrl.u32 s5, $0x1;
	s14 =	sadd.s32 s6, s2  }
0xa: {  	s10 =	sadd.s32 s10, s4;
	s12 =	ssub.s32 s5, s12;
	s5 =	sor.u32 $0x1C02, s31  }
.Ltmp0:
0xb: {  	s8 =	sadd.s32 s8, s4;
	s9 =	sadd.s32 s9, s4;
	(pc) =	sbr.rel .LBB2_1-.Ltmp0, $4  }
0xc: {  	s11 =	sadd.s32 s11, s4;
	s13 =	sadd.s32 s7, s4;
	s4 =	sadd.s32 $0xA00, s10  }
0xd: {  	s10 =	smax.u32 s12, $0x1;
	s12 =	simm.s32 $0x2;
	s6 =	sadd.s32 $0x1E000, s8  }
0xe: {  	s7 =	sadd.s32 $0x28000, s9;
	s8 =	sadd.s32 $0x280A00, s11;
	s9 =	sadd.s32 $0x2D000, s13  }
0xf: {  	v0 =	vimm.f32 $0.0e+00;
	s11 =	sshrl.u32 s14, $0x3;
	s13 =	simm.s32 $0xEA60;
	s14 =	simm.s32 $0x11260  }
.LBB2_12:
0x10: {  	s19 =	sadd.s32 $0x1, s19  }
0x11: {  	p0 =	sne.s32 s19, s10  }
.Ltmp1:
0x12: {  	_ = 	snop;
	(pc) =	sbr.rel @!p0 .LBB2_13-.Ltmp1, $4  }
0x13: {  	[hbm4b:s9+s3] =	stream.linear.scatter [tilespmem:s18], [sflag:$0x2], $0x2580, $0x38;
	[tilespmem:$0x17E00] =	vst v63  }
0x14: {  	_ =	swait.ge [sflag:s12], $0x2580  }
0x15: {  	[sflag:s12] =	ssyncset.done $0x0  }
0x16: {  	v0 =	vimm.f32 $0.0e+00;
	[sflag:s12] =	ssyncadd.s32 $0xFFFFDA80  }
.LBB2_1:
0x17: {  	[spmem:s11], [sflag:s5] =	dma.local [hbm:s4], $0x1D4C  }
0x18: {  	_ =	swait.ge [sflag:s12], $0x1D4C  }
0x19: {  	[sflag:s12] =	ssyncset.done $0x0  }
0x1a: {  	[sflag:s12] =	ssyncadd.s32 $0xFFFFE2B4  }
0x1b: {  	[tilespmem:s13], [sflag:$0x2] =	stream.linear.gather [hbm4b:s6+s3], $0x2800, $0x38;
	[tilespmem:$0x17E00] =	vst v63  }
0x1c: {  	_ =	swait.ge [sflag:s12], $0x2800  }
0x1d: {  	[sflag:s12] =	ssyncset.done $0x0  }
0x1e: {  	[sflag:s12] =	ssyncadd.s32 $0xFFFFD800  }
0x1f: {  	[tilespmem:s14], [sflag:$0x2] =	stream.linear.gather [hbm4b:s7+s3], $0x1400, $0x38;
	[tilespmem:$0x17E00] =	vst v63  }
0x20: {  	_ =	swait.ge [sflag:s12], $0x1400  }
0x21: {  	[sflag:s12] =	ssyncset.done $0x0  }
0x22: {  	[sflag:s12] =	ssyncadd.s32 $0xFFFFEC00  }
0x23: {  	s20 =	simm.s32 $0x0;
	[bflag:$0x0] =	sbarrier.arrive $0xFFFF  }
0x24: {  	[tilespmem:s20+$0x158D0] =	vst v0  }
0x25: {  	[tilespmem:s20+$0x15880] =	vst v0  }
0x26: {  	[tilespmem:s20+$0x15890] =	vst v0  }
0x27: {  	[tilespmem:s20+$0x158A0] =	vst v0  }
0x28: {  	s21 =	simm.s32 $0x180;
	[tilespmem:s20+$0x158B0] =	vst v0  }
.LBB2_2:
0x29: {  	p0 =	sne.s32 s21, $0x9480;
	[tilespmem:s20+$0x158C0] =	vst v0;
	s20 =	sshra.s32 s21, $0x2;
	s21 =	sadd.s32 $0x180, s21  }
.Ltmp2:
0x2a: {  	[tilespmem:s20+$0x158D0] =	vst v0;
	(pc) =	sbr.rel @p0 .LBB2_2-.Ltmp2, $4  }
0x2b: {  	[tilespmem:s20+$0x15880] =	vst v0  }
0x2c: {  	[tilespmem:s20+$0x15890] =	vst v0  }
0x2d: {  	[tilespmem:s20+$0x158A0] =	vst v0  }
0x2e: {  	[tilespmem:s20+$0x158B0] =	vst v0  }
.Ltmp3:
0x2f: {  	(pc) =	sbr.rel .LBB2_4-.Ltmp3, $2  }
0x30: {  	_ =	sdelay $0x2  }
0x31: {  	[tilespmem:s20+$0x158C0] =	vst v0;
	s20 =	simm.s32 $0x0;
	s21 =	simm.s32 $0x11260;
	s22 =	simm.s32 $0x0  }
.LBB2_10:
0x32: {  	v0 =	vmul.f32 v3, v2;
	_ =	sdelay $0x1  }
0x33: {  	v0 =	vadd.f32 v0, v1;
	_ =	sdelay $0x1  }
0x34: {  	[tilespmem:s23+$0x158D0] =	vst v0  }
.LBB2_11:
0x35: {  	s22 =	sadd.s32 $0x1, s22  }
0x36: {  	p0 =	sne.s32 s22, $0x50  }
.Ltmp4:
0x37: {  	_ = 	snop;
	(pc) =	sbr.rel @!p0 .LBB2_12-.Ltmp4, $2  }
0x38: {  	_ =	sdelay $0x2  }
0x39: {  	s21 =	sadd.s32 $0x40, s21  }
.LBB2_4:
0x3a: {  	s23 =	sshll.u32 s22, $0x7  }
0x3b: {  	s23 =	sand.u32 $0x3FFFFF80, s23  }
0x3c: {  	s23 =	sadd.s32 $0xEA60, s23  }
0x3d: {  	[tilespmem:s16], [sflag:$0x1] =	stream.indirect.gather [spmem:s2], $0x60, s23, s15, $0xb8;
	[tilespmem:$0x17E00] =	vst v63  }
0x3e: {  	_ =	swait.ge [sflag:s17], $0x3000  }
0x3f: {  	s30 =	sshll.u32 s22, $0x6;
	[sflag:s17] =	ssyncset.done $0x0  }
0x40: {  	s24 =	simm.s32 $0x12670;
	s25 =	sadd.s32 s30, s8;
	[sflag:s17] =	ssyncadd.s32 $0xFFFFD000  }
0x41: {  	[tilespmem:s24], [sflag:$0x1] =	stream.linear.gather [hbm4b:s25+s20], $0x200, $0x38;
	[tilespmem:$0x17E00] =	vst v63  }
0x42: {  	_ =	swait.ge [sflag:s17], $0x200  }
0x43: {  	[sflag:s17] =	ssyncset.done $0x0  }
0x44: {  	[sflag:s17] =	ssyncadd.s32 $0xFFFFFE00  }
0x45: {  	v1 =	vld [tilespmem:s30+$0x11260]  }
0x46: {  	v2 =	vld [tilespmem:s30+$0x1129F];
	_ =	sdelay $0x3  }
0x47: {  	(v2sf) =	vpush v1, $0x0  }
0x48: {  	(v2sf) =	vpush v2, $0x0;
	_ =	sdelay $0xd  }
0x49: {  	s23 =	spop (v2sf)  }
0x4a: {  	s31 =	spop (v2sf)  }
0x4b: {  	p0 =	sne.s32 s23, s31  }
.Ltmp5:
0x4c: {  	_ = 	snop;
	(pc) =	sbr.rel @p0 .LBB2_8-.Ltmp5, $2  }
0x4d: {  	_ =	sdelay $0x2  }
0x4e: {  	s25 =	simm.s32 $0x128E0  }
0x4f: {  	s25 =	simm.s32 $0x0  }
0x50: {  	v9 =	vld [tilespmem:s25+$0x12670]  }
0x51: {  	v8 =	vld [tilespmem:s25+$0x12678]  }
0x52: {  	v7 =	vld [tilespmem:s25+$0x12680]  }
0x53: {  	v6 =	vld [tilespmem:s25+$0x12688]  }
0x54: {  	v12 =	vld [tilespmem:s25+$0x12690]  }
0x55: {  	v14 =	vld [tilespmem:s25+$0x12698]  }
0x56: {  	v13 =	vld [tilespmem:s25+$0x126A0]  }
0x57: {  	s24 =	simm.s32 $0x12B80;
	v10 =	vld [tilespmem:s25+$0x126A8]  }
0x58: {  	v52 =	vld [tilespmem:s24+$0x2C0]  }
0x59: {  	v2 =	vld [tilespmem:s24+$0x2F0]  }
0x5a: {  	v3 =	vld [tilespmem:s24+$0x290]  }
0x5b: {  	v4 =	vld [tilespmem:s24+$0x210]  }
0x5c: {  	v5 =	vld [tilespmem:s24+$0x1B0]  }
0x5d: {  	v11 =	vld [tilespmem:s24+$0x1F0]  }
0x5e: {  	v15 =	vld [tilespmem:s24+$0x190]  }
0x5f: {  	v16 =	vld [tilespmem:s24+$0x150]  }
0x60: {  	v17 =	vld [tilespmem:s24+$0xF0]  }
0x61: {  	v18 =	vld [tilespmem:s24+$0x130]  }
0x62: {  	v19 =	vld [tilespmem:s24+$0xD0]  }
0x63: {  	v20 =	vld [tilespmem:s24+$0xFFFFFFB0]  }
0x64: {  	v21 =	vld [tilespmem:s24+$0xFFFFFF50]  }
0x65: {  	v22 =	vld [tilespmem:s24+$0x230]  }
0x66: {  	v23 =	vld [tilespmem:s24+$0x1D0]  }
0x67: {  	v24 =	vld [tilespmem:s24+$0x170]  }
0x68: {  	v25 =	vld [tilespmem:s24+$0x110]  }
0x69: {  	v26 =	vld [tilespmem:s24+$0xA0]  }
0x6a: {  	v27 =	vld [tilespmem:s24+$0x40]  }
0x6b: {  	v28 =	vld [tilespmem:s24+$0xB0]  }
0x6c: {  	v29 =	vld [tilespmem:s24+$0x50]  }
0x6d: {  	v30 =	vld [tilespmem:s24+$0xFFFFFFF0]  }
0x6e: {  	v31 =	vld [tilespmem:s24+$0xFFFFFF90]  }
0x6f: {  	v32 =	vld [tilespmem:s24+$0x160]  }
0x70: {  	v33 =	vld [tilespmem:s24+$0x100]  }
0x71: {  	v34 =	vld [tilespmem:s24+$0xFFFFFF30];
	v2 =	vmul.f32 v2, v3;
	v37 =	vmul.f32 v4, v5  }
0x72: {  	v35 =	vld [tilespmem:s24+$0xFFFFFFE0];
	v3 =	vmul.f32 v18, v19;
	v4 =	vbroadcast v14, $0x1  }
0x73: {  	v36 =	vld [tilespmem:s24+$0xFFFFFF80];
	v5 =	vmul.f32 v11, v15;
	v11 =	vmul.f32 v16, v17  }
0x74: {  	v38 =	vld [tilespmem:s24+$0xFFFFFED0];
	v19 =	vmul.f32 v20, v21;
	v20 =	vmul.f32 v22, v23  }
0x75: {  	v59 =	vld [tilespmem:s24+$0xFFFFFF70];
	v21 =	vmul.f32 v24, v25;
	v23 =	vmul.f32 v26, v27  }
0x76: {  	v60 =	vld [tilespmem:s24+$0xFFFFFE70];
	v15 =	vbroadcast v13, $0x1;
	v25 =	vmul.f32 v28, v29  }
0x77: {  	v62 =	vld [tilespmem:s24+$0xFFFFFE10];
	v27 =	vmul.f32 v30, v31;
	v28 =	vmul.f32 v32, v33  }
0x78: {  	v39 =	vld [tilespmem:s24+$0xFFFFFE60];
	v29 =	vbroadcast v13, $0x3;
	v31 =	vmul.f32 v35, v36  }
0x79: {  	v42 =	vld [tilespmem:s24+$0xFFFFFE50];
	v33 =	vmul.f32 v34, v38;
	v61 =	vbroadcast v14, $0x3  }
0x7a: {  	v46 =	vld [tilespmem:s24+$0xFFFFFE30];
	v36 =	vbroadcast v9, $0x3;
	v38 =	vbroadcast v7, $0x5  }
0x7b: {  	v48 =	vld [tilespmem:s24+$0xFFFFFDD0];
	v40 =	vbroadcast v8, $0x4;
	v41 =	vbroadcast v8, $0x5  }
0x7c: {  	v63 =	vld [tilespmem:s24+$0xFFFFFE40];
	v43 =	vbroadcast v6, $0x1;
	v35 =	vbroadcast v9, $0x5  }
0x7d: {  	v44 =	vld [tilespmem:s24+$0xFFFFFDE0];
	v34 =	vmul.f32 v60, v62;
	v45 =	vbroadcast v6, $0x3  }
0x7e: {  	v53 =	vld [tilespmem:s24+$0x2B0];
	v47 =	vbroadcast v12, $0x5;
	v49 =	vbroadcast v8, $0x3  }
0x7f: {  	v51 =	vld [tilespmem:s24+$0xFFFFFDB0];
	v50 =	vbroadcast v14, $0x5;
	v57 =	vbroadcast v13, $0x5  }
0x80: {  	v18 =	vld [tilespmem:s24+$0xFFFFFF20];
	v58 =	vbroadcast v12, $0x4;
	v46 =	vmul.f32 v46, v48  }
0x81: {  	v16 =	vld [tilespmem:s24+$0xFFFFFEC0];
	v60 =	vbroadcast v14, $0x4;
	v1 =	vbroadcast v12, $0x0  }
0x82: {  	v17 =	vld [tilespmem:s24+$0xFFFFFF00];
	v54 =	vmul.f32 v3, v4;
	v4 =	vbroadcast v10, $0x5  }
0x83: {  	v22 =	vld [tilespmem:s24+$0xFFFFFEB0];
	v56 =	vmul.f32 v5, v15;
	v0 =	vmul.f32 v37, v29  }
0x84: {  	v24 =	vld [tilespmem:s24+$0xFFFFFEA0];
	v37 =	vbroadcast v6, $0x5;
	v21 =	vmul.f32 v21, v50  }
0x85: {  	v26 =	vld [tilespmem:s24+$0xFFFFFEF0];
	v20 =	vmul.f32 v20, v57;
	v23 =	vmul.f32 v23, v58  }
0x86: {  	v30 =	vld [tilespmem:s24+$0xFFFFFFD0];
	v25 =	vmul.f32 v25, v47;
	v57 =	vbroadcast v7, $0x2  }
0x87: {  	v32 =	vld [tilespmem:s24+$0xFFFFFD50];
	v28 =	vmul.f32 v28, v60;
	v34 =	vmul.f32 v34, v41  }
0x88: {  	v62 =	vld [tilespmem:s24+$0xFFFFFD90];
	v33 =	vmul.f32 v33, v38;
	v5 =	vbroadcast v13, $0x0  }
0x89: {  	v29 =	vld [tilespmem:s24+$0xFFFFFF10];
	v55 =	vmul.f32 v2, v4;
	v27 =	vmul.f32 v27, v37  }
0x8a: {  	v58 =	vld [tilespmem:s24+$0xFFFFFD80];
	v16 =	vmul.f32 v18, v16;
	v18 =	vbroadcast v7, $0x4  }
0x8b: {  	v50 =	vld [tilespmem:s24+$0xFFFFFD70];
	v24 =	vmul.f32 v17, v24;
	v30 =	vmul.f32 v30, v59  }
0x8c: {  	v60 =	vld [tilespmem:s24+$0xFFFFFD10];
	v32 =	vmul.f32 v51, v32;
	v51 =	vbroadcast v9, $0x2  }
0x8d: {  	v2 =	vld [tilespmem:s24+$0xFFFFFE90];
	v18 =	vmul.f32 v16, v18;
	v16 =	vmul.f32 v11, v61  }
0x8e: {  	v17 =	vld [tilespmem:s24+$0xFFFFFE00];
	v22 =	vmul.f32 v29, v22;
	v29 =	vbroadcast v6, $0x4  }
0x8f: {  	v11 =	vld [tilespmem:s24+$0xFFFFFDF0];
	v30 =	vmul.f32 v30, v45;
	v32 =	vmul.f32 v32, v35  }
0x90: {  	v59 =	vld [tilespmem:s24+$0xFFFFFDA0];
	v24 =	vmul.f32 v24, v57;
	v57 =	vbroadcast v8, $0x2  }
0x91: {  	v61 =	vld [tilespmem:s24+$0xFFFFFD40];
	v47 =	vmul.f32 v50, v60;
	v60 =	vbroadcast v9, $0x1  }
0x92: {  	v37 =	vld [tilespmem:s24+$0xFFFFFFA0];
	v50 =	vbroadcast v8, $0x1;
	v26 =	vmul.f32 v26, v2  }
0x93: {  	v35 =	vld [tilespmem:s24+$0x90];
	v29 =	vmul.f32 v31, v29;
	v31 =	vbroadcast v7, $0x1  }
0x94: {  	v39 =	vmul.f32 v39, v17;
	v17 =	vld [tilespmem:s24+$0x2D0];
	v42 =	vmul.f32 v42, v11  }
0x95: {  	v11 =	vmul.f32 v19, v43;
	v19 =	vmul.f32 v63, v44;
	v63 =	vld [tilespmem:s24+$0xFFFFFD30]  }
0x96: {  	v44 =	vld [tilespmem:s24+$0xFFFFFFC0];
	v43 =	vmul.f32 v59, v61;
	v61 =	vbroadcast v7, $0x3  }
0x97: {  	v26 =	vmul.f32 v26, v31;
	v59 =	vld [tilespmem:s24+$0xFFFFFD20];
	v39 =	vmul.f32 v39, v40;
	v40 =	vimm.f32 $0.0e+00  }
0x98: {  	v31 =	vbroadcast v9, $0x4;
	v32 =	vadd.f32 v32, v40;
	v22 =	vmul.f32 v22, v61;
	v61 =	vld [tilespmem:s24+$0xFFFFFEE0]  }
0x99: {  	v8 =	vbroadcast v8, $0x0;
	v42 =	vmul.f32 v42, v49;
	v49 =	vld [tilespmem:s24+$0x1C0]  }
0x9a: {  	v31 =	vmul.f32 v43, v31;
	v32 =	vadd.f32 v34, v32;
	v45 =	vmul.f32 v62, v63;
	v62 =	vld [tilespmem:s24+$0xFFFFFD60]  }
0x9b: {  	v2 =	vbroadcast v12, $0x2;
	v9 =	vbroadcast v9, $0x0;
	v63 =	vld [tilespmem:s24+$0xFFFFFD00]  }
0x9c: {  	v31 =	vadd.f32 v31, v40;
	v48 =	vmul.f32 v58, v59;
	v58 =	vld [tilespmem:s24+$0xFFFFFE20];
	v32 =	vadd.f32 v33, v32  }
0x9d: {  	v7 =	vbroadcast v7, $0x0;
	v19 =	vmul.f32 v19, v57;
	v59 =	vld [tilespmem:s24+$0xFFFFFDC0]  }
0x9e: {  	v31 =	vadd.f32 v39, v31;
	v36 =	vmul.f32 v45, v36;
	v45 =	vld [tilespmem:s24+$0x220];
	v27 =	vadd.f32 v27, v32  }
0x9f: {  	v43 =	vmul.f32 v48, v51;
	v51 =	vld [tilespmem:s24+$0x30];
	v48 =	vbroadcast v13, $0x4  }
0xa0: {  	v13 =	vbroadcast v13, $0x2;
	v18 =	vadd.f32 v18, v31;
	v25 =	vadd.f32 v25, v27;
	v27 =	vld [tilespmem:s24+$0x70]  }
0xa1: {  	v31 =	vmul.f32 v47, v60;
	v36 =	vadd.f32 v36, v40;
	v62 =	vmul.f32 v62, v63;
	v63 =	vld [tilespmem:s24+$0xFFFFFE80]  }
0xa2: {  	v43 =	vadd.f32 v43, v40;
	v57 =	vmul.f32 v58, v59;
	v58 =	vld [tilespmem:s24+$0xFFFFFF40];
	v59 =	vmul.f32 v46, v50  }
0xa3: {  	v18 =	vadd.f32 v29, v18;
	v29 =	vld [tilespmem:s24+$0xFFFFFF60];
	v31 =	vadd.f32 v31, v40;
	v46 =	vbroadcast v10, $0x3  }
0xa4: {  	v50 =	vld [tilespmem:s24+$0x60];
	v36 =	vadd.f32 v42, v36;
	v21 =	vadd.f32 v21, v25;
	v25 =	vbroadcast v12, $0x1  }
0xa5: {  	v19 =	vadd.f32 v19, v43;
	v9 =	vmul.f32 v62, v9;
	v33 =	vmul.f32 v35, v51;
	v35 =	vld [tilespmem:s24+$0x200]  }
0xa6: {  	v8 =	vmul.f32 v57, v8;
	v18 =	vadd.f32 v23, v18;
	v23 =	vmul.f32 v45, v49;
	v49 =	vld [tilespmem:s24+$0xE0]  }
0xa7: {  	v31 =	vadd.f32 v59, v31;
	v51 =	vld [tilespmem:s24+$0x1A0];
	v45 =	vbroadcast v10, $0x2;
	v22 =	vadd.f32 v22, v36  }
0xa8: {  	v59 =	vld [tilespmem:s24+$0x0];
	v20 =	vadd.f32 v20, v21;
	v21 =	vbroadcast v14, $0x0;
	v14 =	vbroadcast v14, $0x2  }
0xa9: {  	v57 =	vld [tilespmem:s24+$0x80];
	v18 =	vadd.f32 v28, v18;
	v60 =	vmul.f32 v61, v63;
	v62 =	vmul.f32 v37, v58  }
0xaa: {  	v61 =	vld [tilespmem:s24+$0x10];
	v29 =	vmul.f32 v44, v29;
	v28 =	vadd.f32 v30, v22;
	v30 =	vbroadcast v6, $0x2  }
0xab: {  	v9 =	vadd.f32 v9, v40;
	v63 =	vld [tilespmem:s24+$0x140];
	v22 =	vmul.f32 v23, v48;
	v44 =	vbroadcast v10, $0x4  }
0xac: {  	v19 =	vadd.f32 v24, v19;
	v23 =	vld [tilespmem:s24+$0xC0];
	v32 =	vmul.f32 v60, v7;
	v7 =	vbroadcast v12, $0x3  }
0xad: {  	v8 =	vadd.f32 v8, v9;
	v9 =	vld [tilespmem:s24+$0x120];
	v29 =	vmul.f32 v29, v30;
	v34 =	vmul.f32 v50, v59  }
0xae: {  	v26 =	vadd.f32 v26, v31;
	v30 =	vld [tilespmem:s24+$0x270];
	v33 =	vmul.f32 v33, v7;
	v7 =	vbroadcast v6, $0x0  }
0xaf: {  	v60 =	vld [tilespmem:s24+$0x20];
	v32 =	vadd.f32 v32, v8;
	v8 =	vbroadcast v10, $0x0;
	v27 =	vmul.f32 v27, v61  }
0xb0: {  	v24 =	vmul.f32 v63, v49;
	v61 =	vadd.f32 v11, v26;
	v26 =	vld [tilespmem:s24+$0x280];
	v31 =	vmul.f32 v62, v7  }
0xb1: {  	v62 =	vmul.f32 v35, v51;
	v33 =	vadd.f32 v33, v28;
	v28 =	vadd.f32 v29, v19;
	v29 =	vld [tilespmem:s24+$0x2A0]  }
0xb2: {  	v58 =	vmul.f32 v27, v25;
	v25 =	vmul.f32 v9, v23;
	v23 =	vld [tilespmem:s24+$0x2E0]  }
0xb3: {  	v17 =	vmul.f32 v17, v30;
	v30 =	vld [tilespmem:s24+$0x1E0];
	v9 =	vbroadcast v10, $0x1  }
0xb4: {  	v35 =	vmul.f32 v57, v60;
	v27 =	vadd.f32 v31, v32;
	v32 =	vld [tilespmem:s24+$0x180];
	v63 =	vadd.f32 v16, v33  }
0xb5: {  	v16 =	vmul.f32 v24, v14;
	v31 =	vld [tilespmem:s24+$0x250];
	v13 =	vmul.f32 v62, v13  }
0xb6: {  	s26 =	simm.s32 $0x100;
	v14 =	vld [tilespmem:s24+$0x240];
	v25 =	vmul.f32 v25, v21;
	v33 =	vadd.f32 v58, v61;
	v12 =	vadd.f32 v0, v63  }
.LBB2_6:
0xb7: {  	_ =	sdelay $0x3  }
0xb8: {  	v3 =	vadd.f32 v54, v33;
	v19 =	vmul.f32 v35, v2;
	v2 =	vmul.f32 v53, v31  }
0xb9: {  	v21 =	vadd.f32 v22, v18;
	v0 =	vadd.f32 v55, v20  }
0xba: {  	v3 =	vadd.f32 v56, v3;
	v18 =	vmul.f32 v23, v26;
	v2 =	vmul.f32 v2, v9;
	_ =	sdelay $0x1  }
0xbb: {  	[tilespmem:$0x1FE70] =	vst v0;
	v23 =	vmul.f32 v30, v32;
	v4 =	vmul.f32 v18, v44;
	v0 =	vadd.f32 v2, v3;
	_ =	sdelay $0x1  }
0xbc: {  	v11 =	vmul.f32 v23, v5;
	v5 =	vmul.f32 v17, v46;
	[tilespmem:$0x1FED0] =	vst v0;
	v0 =	vadd.f32 v4, v21  }
0xbd: {  	v24 =	vld [tilespmem:s24+$0x260];
	v15 =	vmul.f32 v34, v1  }
0xbe: {  	[tilespmem:$0x1FE80] =	vst v0;
	v0 =	vadd.f32 v5, v12  }
0xbf: {  	s24 =	sadd.s32 $0x600, s24;
	v6 =	vadd.f32 v15, v27  }
0xc0: {  	[tilespmem:$0x1FE90] =	vst v0;
	v0 =	vld [tilespmem:s24+$0x2C0]  }
0xc1: {  	v10 =	vmul.f32 v29, v14;
	v15 =	vadd.f32 v19, v28;
	v6 =	vadd.f32 v25, v6  }
0xc2: {  	v1 =	vmul.f32 v52, v24  }
0xc3: {  	v9 =	vadd.f32 v16, v15;
	v2 =	vadd.f32 v11, v6;
	v4 =	vmul.f32 v10, v8;
	_ =	sdelay $0x1  }
0xc4: {  	v3 =	vadd.f32 v13, v9;
	v6 =	vmul.f32 v1, v45;
	[tilespmem:$0x1FEB0] =	vst v0;
	v0 =	vadd.f32 v4, v2;
	_ =	sdelay $0x1  }
0xc5: {  	[tilespmem:$0x1FEC0] =	vst v0;
	v0 =	vadd.f32 v6, v3;
	_ =	sdelay $0x1  }
0xc6: {  	[tilespmem:$0x1FEA0] =	vst v0;
	v0 =	vld [tilespmem:s24+$0x2D0];
	_ =	sdelay $0x4  }
0xc7: {  	[tilespmem:$0x1FF80] =	vst v0;
	v0 =	vld [tilespmem:s24+$0x200]  }
0xc8: {  	s28 =	sshra.s32 s26, $0x2  }
0xc9: {  	v43 =	vld [tilespmem:s28+$0x12670]  }
0xca: {  	v42 =	vld [tilespmem:s28+$0x12688]  }
0xcb: {  	v39 =	vld [tilespmem:s28+$0x12690]  }
0xcc: {  	[tilespmem:$0x1FF50] =	vst v0;
	v0 =	vld [tilespmem:s24+$0x120]  }
0xcd: {  	v40 =	vld [tilespmem:s28+$0x12698]  }
0xce: {  	v41 =	vld [tilespmem:s28+$0x126A0]  }
0xcf: {  	v61 =	vld [tilespmem:s28+$0x126A8]  }
0xd0: {  	v7 =	vld [tilespmem:s24+$0x1B0]  }
0xd1: {  	[tilespmem:$0x1FF30] =	vst v0;
	v0 =	vld [tilespmem:s24+$0x140]  }
0xd2: {  	v36 =	vld [tilespmem:s24+$0xA0]  }
0xd3: {  	v38 =	vld [tilespmem:s24+$0x40]  }
0xd4: {  	v62 =	vld [tilespmem:s24+$0xB0]  }
0xd5: {  	v63 =	vld [tilespmem:s24+$0x50]  }
0xd6: {  	[tilespmem:$0x1FF20] =	vst v0;
	v0 =	vld [tilespmem:s24+$0x60]  }
0xd7: {  	v47 =	vld [tilespmem:s24+$0xFFFFFFF0]  }
0xd8: {  	v49 =	vld [tilespmem:s24+$0x160]  }
0xd9: {  	v51 =	vld [tilespmem:s24+$0x100]  }
0xda: {  	v58 =	vld [tilespmem:s24+$0xFFFFFF30]  }
0xdb: {  	[tilespmem:$0x1FF90] =	vst v0;
	v0 =	vld [tilespmem:s24+$0x80]  }
0xdc: {  	v60 =	vld [tilespmem:s24+$0xFFFFFFE0]  }
0xdd: {  	v54 =	vld [tilespmem:s24+$0xFFFFFEA0]  }
0xde: {  	v35 =	vld [tilespmem:s28+$0x12678]  }
0xdf: {  	v31 =	vld [tilespmem:s24+$0x2B0]  }
0xe0: {  	[tilespmem:$0x1FFC0] =	vst v0;
	v0 =	vld [tilespmem:s24+$0x70]  }
0xe1: {  	v32 =	vld [tilespmem:s24+$0x90]  }
0xe2: {  	v34 =	vld [tilespmem:s24+$0x220]  }
0xe3: {  	v53 =	vld [tilespmem:s24+$0xFFFFFE70]  }
0xe4: {  	v24 =	vld [tilespmem:s24+$0x110]  }
0xe5: {  	[tilespmem:$0x1FF00] =	vst v0;
	v0 =	vld [tilespmem:s24+$0xFFFFFFC0]  }
0xe6: {  	v44 =	vld [tilespmem:s28+$0x12680]  }
0xe7: {  	v5 =	vld [tilespmem:s24+$0x210]  }
0xe8: {  	v4 =	vld [tilespmem:s24+$0x290]  }
0xe9: {  	v3 =	vld [tilespmem:s24+$0x2F0]  }
0xea: {  	[tilespmem:$0x1FEF0] =	vst v0;
	v0 =	vld [tilespmem:s24+$0xFFFFFFA0]  }
0xeb: {  	v8 =	vld [tilespmem:s24+$0x1F0]  }
0xec: {  	v28 =	vbroadcast v61, $0x4;
	v9 =	vld [tilespmem:s24+$0x150]  }
0xed: {  	v30 =	vbroadcast v61, $0x3;
	v37 =	vmul.f32 v5, v7;
	v5 =	vld [tilespmem:s24+$0xF0]  }
0xee: {  	v57 =	vmul.f32 v36, v38;
	v4 =	vmul.f32 v3, v4;
	v3 =	vld [tilespmem:s24+$0x190]  }
0xef: {  	v59 =	vmul.f32 v62, v63;
	v63 =	vld [tilespmem:s24+$0xFFFFFED0];
	[tilespmem:$0x1FEE0] =	vst v0;
	v0 =	vbroadcast v61, $0x2  }
0xf0: {  	v50 =	vbroadcast v61, $0x5;
	v33 =	vbroadcast v39, $0x1;
	v15 =	vld [tilespmem:s24+$0xFFFFFE10]  }
0xf1: {  	v52 =	vbroadcast v41, $0x1;
	v7 =	vld [tilespmem:s24+$0x130];
	[tilespmem:$0x1FF10] =	vst v0;
	v0 =	vbroadcast v61, $0x0  }
0xf2: {  	v46 =	vbroadcast v39, $0x3;
	v55 =	vmul.f32 v9, v5;
	v5 =	vld [tilespmem:s24+$0xFFFFFFB0]  }
0xf3: {  	v48 =	vmul.f32 v8, v3;
	v3 =	vld [tilespmem:s24+$0xD0];
	[tilespmem:$0x1FF70] =	vst v0;
	v0 =	vbroadcast v41, $0x0  }
0xf4: {  	v17 =	vmul.f32 v49, v51;
	v51 =	vbroadcast v43, $0x0;
	v8 =	vld [tilespmem:s24+$0xFFFFFF50]  }
0xf5: {  	v18 =	vbroadcast v43, $0x2;
	v1 =	vld [tilespmem:s24+$0xFFFFFEB0];
	[tilespmem:$0x1FFB0] =	vst v0;
	v0 =	vbroadcast v61, $0x1  }
0xf6: {  	v14 =	vbroadcast v43, $0x3;
	v49 =	vbroadcast v35, $0x0;
	v10 =	vld [tilespmem:s24+$0xFFFFFF70]  }
0xf7: {  	v58 =	vmul.f32 v58, v63;
	v63 =	vld [tilespmem:s24+$0xFFFFFEF0];
	[tilespmem:$0x1FF40] =	vst v0;
	v0 =	vbroadcast v39, $0x0  }
0xf8: {  	v6 =	vld [tilespmem:s24+$0xFFFFFE90];
	v3 =	vmul.f32 v7, v3;
	v7 =	vbroadcast v40, $0x1  }
0xf9: {  	v23 =	vmul.f32 v5, v8;
	v5 =	vld [tilespmem:s24+$0x170];
	[tilespmem:$0x1FFD0] =	vst v0;
	v0 =	vbroadcast v39, $0x2  }
0xfa: {  	v19 =	vbroadcast v35, $0x4;
	v45 =	vbroadcast v41, $0x4;
	v9 =	vld [tilespmem:s24+$0x1D0]  }
0xfb: {  	v27 =	vmul.f32 v3, v7;
	v7 =	vld [tilespmem:s24+$0x230];
	[tilespmem:$0x1FFF0] =	vst v0;
	v0 =	vbroadcast v41, $0x2  }
0xfc: {  	v21 =	vbroadcast v43, $0x4;
	v56 =	vmul.f32 v48, v52;
	v48 =	vld [tilespmem:s24+$0xFFFFFF00]  }
0xfd: {  	v16 =	vbroadcast v44, $0x5;
	v61 =	vld [tilespmem:s24+$0xFFFFFF80];
	[tilespmem:$0x1FFE0] =	vst v0;
	v0 =	vbroadcast v40, $0x0  }
0xfe: {  	v2 =	vbroadcast v41, $0x3;
	v22 =	vmul.f32 v5, v24;
	v5 =	vld [tilespmem:s24+$0xFFFFFF90]  }
0xff: {  	v13 =	vbroadcast v44, $0x3;
	v3 =	vld [tilespmem:s24+$0xFFFFFEC0];
	[tilespmem:$0x1FF60] =	vst v0;
	v0 =	vbroadcast v40, $0x2  }
0x100: {  	v37 =	vmul.f32 v37, v2;
	v25 =	vmul.f32 v7, v9;
	v9 =	vld [tilespmem:s24+$0xFFFFFFD0]  }
0x101: {  	v11 =	vmul.f32 v63, v6;
	v6 =	vbroadcast v42, $0x1;
	[tilespmem:$0x1FFA0] =	vst v0;
	v0 =	vld [tilespmem:s24+$0xFFFFFF20]  }
0x102: {  	v60 =	vmul.f32 v60, v61;
	v61 =	vmul.f32 v48, v54;
	v48 =	vld [tilespmem:s24+$0xFFFFFF10]  }
0x103: {  	v2 =	vld [tilespmem:s24+$0xFFFFFE30];
	v62 =	vmul.f32 v47, v5;
	v5 =	vbroadcast v40, $0x3  }
0x104: {  	v63 =	vld [tilespmem:s24+$0xFFFFFE60];
	v26 =	vmul.f32 v4, v50;
	v6 =	vmul.f32 v23, v6  }
0x105: {  	v29 =	vmul.f32 v55, v5;
	v55 =	vld [tilespmem:s24+$0xFFFFFE00];
	v9 =	vmul.f32 v9, v10  }
0x106: {  	v10 =	vld [tilespmem:s24+$0xFFFFFE50];
	v0 =	vmul.f32 v0, v3;
	v3 =	vbroadcast v44, $0x4  }
0x107: {  	v23 =	vbroadcast v41, $0x5;
	v12 =	vmul.f32 v48, v1;
	v48 =	vld [tilespmem:s24+$0xFFFFFDF0]  }
0x108: {  	v5 =	vbroadcast v40, $0x4;
	v20 =	vmul.f32 v0, v3;
	v3 =	vld [tilespmem:s24+$0xFFFFFE40]  }
0x109: {  	v50 =	vbroadcast v35, $0x1;
	v24 =	vbroadcast v35, $0x2;
	v0 =	vld [tilespmem:s24+$0xFFFFFDE0]  }
0x10a: {  	v4 =	vld [tilespmem:s24+$0xFFFFFDB0];
	v23 =	vmul.f32 v25, v23;
	v5 =	vmul.f32 v17, v5  }
0x10b: {  	v25 =	vld [tilespmem:s24+$0xFFFFFD90];
	v55 =	vmul.f32 v63, v55;
	v54 =	vbroadcast v35, $0x5  }
0x10c: {  	v17 =	vld [tilespmem:s24+$0xFFFFFD70];
	v35 =	vbroadcast v35, $0x3;
	v10 =	vmul.f32 v10, v48  }
0x10d: {  	v52 =	vbroadcast v43, $0x1;
	v43 =	vbroadcast v43, $0x5;
	v41 =	vld [tilespmem:s24+$0xFFFFFDA0]  }
0x10e: {  	v0 =	vmul.f32 v3, v0;
	v3 =	vmul.f32 v10, v35;
	v10 =	vld [tilespmem:s24+$0xFFFFFD40]  }
0x10f: {  	v8 =	vbroadcast v44, $0x2;
	v19 =	vmul.f32 v55, v19;
	v55 =	vmov v26;
	v26 =	vld [tilespmem:s24+$0x280]  }
0x110: {  	v7 =	vbroadcast v42, $0x4;
	v47 =	vbroadcast v44, $0x0;
	v1 =	vld [tilespmem:s24+$0xFFFFFDD0]  }
0x111: {  	v63 =	vbroadcast v39, $0x5;
	v40 =	vbroadcast v40, $0x5;
	v48 =	vld [tilespmem:s24+$0xFFFFFD50]  }
0x112: {  	v39 =	vbroadcast v39, $0x4;
	v7 =	vmul.f32 v60, v7;
	v60 =	vld [tilespmem:s24+$0xFFFFFD10]  }
0x113: {  	v35 =	vmul.f32 v22, v40;
	v22 =	vld [tilespmem:$0x1FE80];
	v10 =	vmul.f32 v41, v10  }
0x114: {  	v8 =	vmul.f32 v61, v8;
	v61 =	vld [tilespmem:s24+$0xFFFFFD60];
	v12 =	vmul.f32 v12, v13  }
0x115: {  	v13 =	vmul.f32 v58, v16;
	v10 =	vmul.f32 v10, v21;
	v21 =	vld [tilespmem:$0x1FE70]  }
0x116: {  	v16 =	vld [tilespmem:$0x1FE90];
	v1 =	vmul.f32 v2, v1;
	v4 =	vmul.f32 v4, v48  }
0x117: {  	v2 =	vmul.f32 v57, v39;
	v39 =	vld [tilespmem:s24+$0xFFFFFD30];
	v44 =	vbroadcast v44, $0x1  }
0x118: {  	v4 =	vmul.f32 v4, v43;
	v40 =	vmul.f32 v59, v63;
	v63 =	vld [tilespmem:s24+$0xFFFFFD80];
	v10 =	vadd.f32 v10, v22  }
0x119: {  	v15 =	vmul.f32 v53, v15;
	v17 =	vmul.f32 v17, v60;
	v59 =	vld [tilespmem:s24+$0xFFFFFD20]  }
0x11a: {  	v53 =	vbroadcast v42, $0x5;
	v10 =	vadd.f32 v19, v10;
	v4 =	vadd.f32 v4, v21;
	v21 =	vld [tilespmem:s24+$0xFFFFFD00]  }
0x11b: {  	v15 =	vmul.f32 v15, v54;
	v17 =	vmul.f32 v17, v52;
	v52 =	vld [tilespmem:$0x1FEB0]  }
0x11c: {  	v11 =	vmul.f32 v11, v44;
	v25 =	vmul.f32 v25, v39;
	v44 =	vmovc v28;
	v28 =	vld [tilespmem:s24+$0xFFFFFDC0];
	v10 =	vadd.f32 v20, v10  }
0x11d: {  	v19 =	vld [tilespmem:$0x1FEA0];
	v4 =	vadd.f32 v15, v4  }
0x11e: {  	v57 =	vmul.f32 v62, v53;
	v14 =	vmul.f32 v25, v14;
	v7 =	vadd.f32 v7, v10;
	v10 =	vld [tilespmem:$0x1FEC0]  }
0x11f: {  	v25 =	vld [tilespmem:s24+$0xFFFFFE20];
	v62 =	vmul.f32 v63, v59;
	v4 =	vadd.f32 v13, v4;
	v13 =	vmul.f32 v61, v21  }
0x120: {  	v14 =	vadd.f32 v14, v16;
	v16 =	vld [tilespmem:s24+$0xFFFFFEE0]  }
0x121: {  	v15 =	vmul.f32 v62, v18;
	v18 =	vld [tilespmem:s24+$0xFFFFFE80];
	v13 =	vmul.f32 v13, v51  }
0x122: {  	v53 =	vmov v31;
	v31 =	vld [tilespmem:s24+$0x250]  }
0x123: {  	v0 =	vmul.f32 v0, v24;
	v15 =	vadd.f32 v15, v19;
	v10 =	vadd.f32 v13, v10;
	v13 =	vld [tilespmem:$0x1FED0]  }
0x124: {  	v3 =	vadd.f32 v3, v14;
	v14 =	vld [tilespmem:s24+$0x30];
	v2 =	vadd.f32 v2, v7  }
0x125: {  	v36 =	vbroadcast v42, $0x2;
	v0 =	vadd.f32 v0, v15;
	v15 =	vld [tilespmem:s24+$0xFFFFFF40]  }
0x126: {  	v20 =	vmul.f32 v25, v28;
	v16 =	vmul.f32 v16, v18;
	v18 =	vadd.f32 v5, v2;
	v2 =	vld [tilespmem:$0x1FEE0]  }
0x127: {  	v38 =	vbroadcast v42, $0x0;
	v42 =	vbroadcast v42, $0x3;
	v0 =	vadd.f32 v8, v0;
	v8 =	vld [tilespmem:$0x1FF00]  }
0x128: {  	v13 =	vadd.f32 v17, v13;
	v17 =	vmul.f32 v20, v49;
	v20 =	vld [tilespmem:s24+$0x10]  }
0x129: {  	v9 =	vmul.f32 v9, v42;
	v1 =	vmul.f32 v1, v50;
	v3 =	vadd.f32 v12, v3;
	v12 =	vld [tilespmem:s24+$0x0]  }
0x12a: {  	v63 =	vld [tilespmem:s24+$0x20]  }
0x12b: {  	v3 =	vadd.f32 v9, v3;
	v19 =	vld [tilespmem:s24+$0x1C0];
	v1 =	vadd.f32 v1, v13  }
0x12c: {  	v9 =	vld [tilespmem:s24+$0xC0];
	v14 =	vmul.f32 v32, v14;
	v2 =	vmul.f32 v2, v15;
	v10 =	vadd.f32 v17, v10  }
0x12d: {  	v32 =	vld [tilespmem:s24+$0x180];
	v13 =	vmul.f32 v16, v47;
	v1 =	vadd.f32 v11, v1;
	v8 =	vmul.f32 v8, v20  }
0x12e: {  	v21 =	vld [tilespmem:s24+$0xFFFFFF60];
	v2 =	vmul.f32 v2, v38  }
0x12f: {  	v10 =	vadd.f32 v13, v10;
	v1 =	vadd.f32 v6, v1;
	v6 =	vmul.f32 v8, v33;
	v8 =	vld [tilespmem:$0x1FF30]  }
0x130: {  	v5 =	vld [tilespmem:$0x1FEF0];
	v7 =	vmul.f32 v34, v19  }
0x131: {  	v54 =	vmov v27;
	v4 =	vadd.f32 v57, v4;
	v27 =	vadd.f32 v2, v10;
	v2 =	vld [tilespmem:$0x1FF60]  }
0x132: {  	v22 =	vmul.f32 v7, v45;
	v45 =	vld [tilespmem:$0x1FF10];
	v11 =	vmul.f32 v14, v46  }
0x133: {  	v4 =	vadd.f32 v40, v4;
	v7 =	vld [tilespmem:s24+$0x270]  }
0x134: {  	v16 =	vld [tilespmem:s24+$0xE0];
	v3 =	vadd.f32 v11, v3;
	v8 =	vmul.f32 v8, v9  }
0x135: {  	v4 =	vadd.f32 v35, v4;
	v5 =	vmul.f32 v5, v21;
	v14 =	vld [tilespmem:s24+$0x1A0]  }
0x136: {  	v25 =	vmul.f32 v8, v2;
	v2 =	vadd.f32 v29, v3;
	v3 =	vld [tilespmem:$0x1FF80]  }
0x137: {  	v46 =	vmov v30;
	v30 =	vld [tilespmem:s24+$0x1E0];
	v20 =	vadd.f32 v23, v4;
	v4 =	vmul.f32 v5, v36  }
0x138: {  	v5 =	vld [tilespmem:$0x1FF20]  }
0x139: {  	v28 =	vadd.f32 v4, v0;
	v0 =	vld [tilespmem:$0x1FF50]  }
0x13a: {  	v33 =	vadd.f32 v6, v1;
	v1 =	vld [tilespmem:$0x1FFA0]  }
0x13b: {  	v17 =	vmul.f32 v3, v7;
	v3 =	vld [tilespmem:$0x1FF90]  }
0x13c: {  	v23 =	vld [tilespmem:s24+$0x2E0]  }
0x13d: {  	v5 =	vmul.f32 v5, v16;
	v9 =	vld [tilespmem:$0x1FF40]  }
0x13e: {  	v0 =	vmul.f32 v0, v14;
	v14 =	vld [tilespmem:s24+$0x240]  }
0x13f: {  	v16 =	vmul.f32 v5, v1;
	v1 =	vld [tilespmem:$0x1FFC0]  }
0x140: {  	p0 =	sne.s32 s26, $0x700;
	v34 =	vmul.f32 v3, v12;
	v3 =	vld [tilespmem:$0x1FFE0]  }
.Ltmp6:
0x141: {  	v8 =	vld [tilespmem:$0x1FF70];
	(pc) =	sbr.rel @p0 .LBB2_6-.Ltmp6, $4  }
0x142: {  	v5 =	vld [tilespmem:$0x1FFB0]  }
0x143: {  	s25 =	smov.u32 s26;
	v29 =	vld [tilespmem:s24+$0x2A0]  }
0x144: {  	s25 =	sadd.s32 $0x100, s26;
	v35 =	vmul.f32 v1, v63;
	v1 =	vld [tilespmem:$0x1FFD0]  }
0x145: {  	s26 =	smov.u32 s25;
	v12 =	vadd.f32 v37, v2;
	v2 =	vld [tilespmem:$0x1FFF0];
	v13 =	vmul.f32 v0, v3  }
0x146: {  	_ = 	snop  }
0x147: {  	v3 =	vmul.f32 v30, v32;
	v6 =	vmul.f32 v53, v31  }
0x148: {  	v49 =	vld [tilespmem:s24+$0x260];
	s23 =	smul.u32 $0x180, s23;
	v53 =	vmul.f32 v23, v26;
	v11 =	vmul.f32 v17, v46  }
0x149: {  	v50 =	vadd.f32 v54, v33;
	v3 =	vmul.f32 v3, v5;
	v0 =	vmul.f32 v34, v1  }
0x14a: {  	v10 =	vadd.f32 v22, v18;
	v4 =	vmul.f32 v29, v14;
	s23 =	sshra.s32 s23, $0x2;
	v2 =	vmul.f32 v35, v2  }
0x14b: {  	v5 =	vadd.f32 v56, v50;
	v6 =	vmul.f32 v6, v9;
	v57 =	vld [tilespmem:s23+$0x158C0];
	v0 =	vadd.f32 v0, v27  }
0x14c: {  	v56 =	vld [tilespmem:s23+$0x158B0];
	v51 =	vmul.f32 v4, v8;
	v8 =	vmul.f32 v53, v44;
	v2 =	vadd.f32 v2, v28  }
0x14d: {  	v59 =	vadd.f32 v11, v12;
	v1 =	vmul.f32 v52, v49;
	v52 =	vld [tilespmem:s23+$0x15890];
	v0 =	vadd.f32 v25, v0  }
0x14e: {  	v7 =	vld [tilespmem:s23+$0x15880];
	v60 =	vadd.f32 v8, v10;
	v2 =	vadd.f32 v16, v2  }
0x14f: {  	v54 =	vld [tilespmem:s23+$0x158A0];
	v5 =	vadd.f32 v6, v5;
	v0 =	vadd.f32 v3, v0  }
0x150: {  	v58 =	vld [tilespmem:s23+$0x158D0];
	v1 =	vmul.f32 v1, v45;
	v63 =	vadd.f32 v57, v60;
	v2 =	vadd.f32 v13, v2  }
0x151: {  	v3 =	vadd.f32 v56, v59;
	v0 =	vadd.f32 v51, v0  }
0x152: {  	v4 =	vadd.f32 v52, v5;
	[tilespmem:s23+$0x158C0] =	vst v63;
	v1 =	vadd.f32 v1, v2  }
.Ltmp7:
0x153: {  	v62 =	vadd.f32 v55, v20;
	[tilespmem:s23+$0x158B0] =	vst v3;
	v0 =	vadd.f32 v7, v0;
	(pc) =	sbr.rel .LBB2_11-.Ltmp7, $4  }
0x154: {  	[tilespmem:s23+$0x15890] =	vst v4;
	v61 =	vadd.f32 v54, v1  }
0x155: {  	v1 =	vadd.f32 v58, v62;
	[tilespmem:s23+$0x15880] =	vst v0  }
0x156: {  	[tilespmem:s23+$0x158A0] =	vst v61  }
0x157: {  	[tilespmem:s23+$0x158D0] =	vst v1  }
.LBB2_8:
0x158: {  	s23 =	sadd.s32 $0x0, s21  }
0x159: {  	v0 =	vld [tilespmem:s23+$0x0];
	_ =	sdelay $0x4  }
0x15a: {  	(v2sf) =	vpush v0, $0x0;
	_ =	sdelay $0xc  }
0x15b: {  	v1 =	vld [tilespmem:s25+$0xFFFFFFA0]  }
0x15c: {  	v2 =	vld [tilespmem:s24+$0x0]  }
0x15d: {  	v0 =	vld [tilespmem:s25+$0x0];
	s31 =	spop (v2sf)  }
0x15e: {  	s23 =	smul.u32 $0x180, s31;
	_ =	sdelay $0x1  }
0x15f: {  	s23 =	sshra.s32 s23, $0x2  }
0x160: {  	v3 =	vld [tilespmem:s23+$0x15880]  }
0x161: {  	v0 =	vmul.f32 v0, v1;
	v1 =	vbroadcast v2, $0x0;
	_ =	sdelay $0x1  }
0x162: {  	v0 =	vmul.f32 v0, v1;
	_ =	sdelay $0x1  }
0x163: {  	v0 =	vadd.f32 v0, v3;
	_ =	sdelay $0x1  }
0x164: {  	[tilespmem:s23+$0x15880] =	vst v0  }
0x165: {  	v0 =	vld [tilespmem:s25+$0xFFFFFFB0]  }
0x166: {  	v1 =	vld [tilespmem:s25+$0x10];
	_ =	sdelay $0x3  }
0x167: {  	v3 =	vld [tilespmem:s23+$0x15890]  }
0x168: {  	v4 =	vbroadcast v2, $0x1;
	v0 =	vmul.f32 v1, v0;
	_ =	sdelay $0x1  }
0x169: {  	v0 =	vmul.f32 v0, v4;
	_ =	sdelay $0x1  }
0x16a: {  	v0 =	vadd.f32 v0, v3;
	_ =	sdelay $0x1  }
0x16b: {  	[tilespmem:s23+$0x15890] =	vst v0  }
0x16c: {  	v0 =	vld [tilespmem:s25+$0xFFFFFFC0]  }
0x16d: {  	v1 =	vld [tilespmem:s25+$0x20];
	_ =	sdelay $0x3  }
0x16e: {  	v3 =	vld [tilespmem:s23+$0x158A0]  }
0x16f: {  	v4 =	vbroadcast v2, $0x2;
	v0 =	vmul.f32 v1, v0;
	_ =	sdelay $0x1  }
0x170: {  	v0 =	vmul.f32 v0, v4;
	_ =	sdelay $0x1  }
0x171: {  	v0 =	vadd.f32 v0, v3;
	_ =	sdelay $0x1  }
0x172: {  	[tilespmem:s23+$0x158A0] =	vst v0  }
0x173: {  	v0 =	vld [tilespmem:s25+$0xFFFFFFD0]  }
0x174: {  	v1 =	vld [tilespmem:s25+$0x30];
	_ =	sdelay $0x3  }
0x175: {  	v3 =	vld [tilespmem:s23+$0x158B0]  }
0x176: {  	v4 =	vbroadcast v2, $0x3;
	v0 =	vmul.f32 v1, v0;
	_ =	sdelay $0x1  }
0x177: {  	v0 =	vmul.f32 v0, v4;
	_ =	sdelay $0x1  }
0x178: {  	v0 =	vadd.f32 v0, v3;
	_ =	sdelay $0x1  }
0x179: {  	[tilespmem:s23+$0x158B0] =	vst v0  }
0x17a: {  	v0 =	vld [tilespmem:s25+$0xFFFFFFE0]  }
0x17b: {  	v1 =	vld [tilespmem:s25+$0x40];
	_ =	sdelay $0x3  }
0x17c: {  	v3 =	vld [tilespmem:s23+$0x158C0]  }
0x17d: {  	v4 =	vbroadcast v2, $0x4;
	v0 =	vmul.f32 v1, v0;
	_ =	sdelay $0x1  }
0x17e: {  	v0 =	vmul.f32 v0, v4;
	_ =	sdelay $0x1  }
0x17f: {  	v0 =	vadd.f32 v0, v3;
	_ =	sdelay $0x1  }
0x180: {  	[tilespmem:s23+$0x158C0] =	vst v0  }
0x181: {  	v0 =	vld [tilespmem:s25+$0xFFFFFFF0]  }
0x182: {  	v3 =	vld [tilespmem:s25+$0x50];
	_ =	sdelay $0x3  }
0x183: {  	v1 =	vld [tilespmem:s23+$0x158D0]  }
0x184: {  	s26 =	simm.s32 $0x4;
	v2 =	vbroadcast v2, $0x5;
	v3 =	vmul.f32 v3, v0  }
.LBB2_9:
0x185: {  	p0 =	sne.s32 s26, $0xFC;
	s24 =	sadd.s32 $0x8, s24;
	s25 =	sadd.s32 $0xC0, s25  }
0x186: {  	v0 =	vmul.f32 v3, v2;
	s28 =	smov.u32 s26;
	s26 =	sadd.s32 $0x4, s26;
	_ =	sdelay $0x1  }
0x187: {  	v0 =	vadd.f32 v0, v1  }
0x188: {  	s28 =	sshra.s32 s28, $0x2  }
0x189: {  	s28 =	sadd.s32 s28, s21;
	[tilespmem:s23+$0x158D0] =	vst v0  }
0x18a: {  	v0 =	vld [tilespmem:s28+$0x0];
	_ =	sdelay $0x4  }
0x18b: {  	(v2sf) =	vpush v0, $0x0;
	_ =	sdelay $0xc  }
0x18c: {  	v0 =	vld [tilespmem:s25+$0x0]  }
0x18d: {  	v1 =	vld [tilespmem:s25+$0xFFFFFFA0]  }
0x18e: {  	v2 =	vld [tilespmem:s24+$0x0];
	s23 =	spop (v2sf)  }
0x18f: {  	s23 =	smul.u32 $0x180, s23;
	_ =	sdelay $0x1  }
0x190: {  	s23 =	sshra.s32 s23, $0x2  }
0x191: {  	v3 =	vld [tilespmem:s23+$0x15880];
	v0 =	vmul.f32 v0, v1  }
0x192: {  	v1 =	vbroadcast v2, $0x0;
	_ =	sdelay $0x1  }
0x193: {  	v0 =	vmul.f32 v0, v1;
	_ =	sdelay $0x1  }
0x194: {  	v0 =	vadd.f32 v0, v3;
	_ =	sdelay $0x1  }
0x195: {  	[tilespmem:s23+$0x15880] =	vst v0  }
0x196: {  	v0 =	vld [tilespmem:s25+$0xFFFFFFB0]  }
0x197: {  	v1 =	vld [tilespmem:s25+$0x10];
	_ =	sdelay $0x2  }
0x198: {  	v3 =	vld [tilespmem:s23+$0x15890]  }
0x199: {  	v4 =	vbroadcast v2, $0x1  }
0x19a: {  	v0 =	vmul.f32 v1, v0;
	_ =	sdelay $0x1  }
0x19b: {  	v0 =	vmul.f32 v0, v4;
	_ =	sdelay $0x1  }
0x19c: {  	v0 =	vadd.f32 v0, v3;
	_ =	sdelay $0x1  }
0x19d: {  	[tilespmem:s23+$0x15890] =	vst v0  }
0x19e: {  	v0 =	vld [tilespmem:s25+$0xFFFFFFC0]  }
0x19f: {  	v1 =	vld [tilespmem:s25+$0x20];
	_ =	sdelay $0x1  }
0x1a0: {  	v3 =	vld [tilespmem:s23+$0x158A0]  }
0x1a1: {  	v4 =	vbroadcast v2, $0x2;
	_ =	sdelay $0x1  }
0x1a2: {  	v0 =	vmul.f32 v1, v0;
	_ =	sdelay $0x1  }
0x1a3: {  	v0 =	vmul.f32 v0, v4;
	_ =	sdelay $0x1  }
0x1a4: {  	v0 =	vadd.f32 v0, v3;
	_ =	sdelay $0x1  }
0x1a5: {  	[tilespmem:s23+$0x158A0] =	vst v0  }
0x1a6: {  	v0 =	vld [tilespmem:s25+$0xFFFFFFD0]  }
0x1a7: {  	v1 =	vld [tilespmem:s25+$0x30]  }
0x1a8: {  	v3 =	vld [tilespmem:s23+$0x158B0]  }
0x1a9: {  	v4 =	vbroadcast v2, $0x3;
	_ =	sdelay $0x2  }
0x1aa: {  	v0 =	vmul.f32 v1, v0;
	_ =	sdelay $0x1  }
0x1ab: {  	v0 =	vmul.f32 v0, v4;
	_ =	sdelay $0x1  }
0x1ac: {  	v0 =	vadd.f32 v0, v3;
	_ =	sdelay $0x1  }
0x1ad: {  	[tilespmem:s23+$0x158B0] =	vst v0;
	v0 =	vld [tilespmem:s23+$0x158C0]  }
0x1ae: {  	v1 =	vld [tilespmem:s25+$0xFFFFFFE0]  }
0x1af: {  	v3 =	vld [tilespmem:s25+$0x40]  }
0x1b0: {  	v4 =	vbroadcast v2, $0x4;
	_ =	sdelay $0x3  }
0x1b1: {  	v1 =	vmul.f32 v3, v1;
	_ =	sdelay $0x1  }
0x1b2: {  	v1 =	vmul.f32 v1, v4;
	_ =	sdelay $0x1  }
0x1b3: {  	v0 =	vadd.f32 v1, v0;
	_ =	sdelay $0x1  }
0x1b4: {  	[tilespmem:s23+$0x158C0] =	vst v0;
	v1 =	vld [tilespmem:s23+$0x158D0]  }
0x1b5: {  	v0 =	vld [tilespmem:s25+$0xFFFFFFF0]  }
0x1b6: {  	v2 =	vbroadcast v2, $0x5;
	v3 =	vld [tilespmem:s25+$0x50]  }
.Ltmp8:
0x1b7: {  	(pc) =	sbr.rel @p0 .LBB2_9-.Ltmp8, $2  }
0x1b8: {  	_ =	sdelay $0x2  }
0x1b9: {  	v3 =	vmul.f32 v3, v0  }
.Ltmp9:
0x1ba: {  	_ = 	snop;
	(pc) =	sbr.rel .LBB2_10-.Ltmp9, $1  }
0x1bb: {  	_ =	sdelay $0x3  }
.LBB2_13:
0x1bc: {  	_ =	sfence.sel $0x180000  }
0x1bd: {  	[bflag:$0x0] =	sbarrier.arrive $0xFFFF  }
0x1be: {  	p0 =	sne.s32 s0, $0x0;
	_ =	strace $0x90000047  }
0x1bf: {  	s0 =	sadd.s32 @!p0 $0x100000, s1;
	[bflag:$0x2] =	sbarrier.arrive $0xFFFF  }
0x1c0: {  	[sflag:s0] =	ssyncadd.tile.s32 @!p0 $0x1;
	_ =	shalt  }
.Lfunc_end2:
_tile_overlayer_lowered:
.L_overlay_start_2:
0x1c1: {  	(tag) =	ssettag $0x2  }
0x1c2: {  	s0 =	rddreg [dreg:$0x0];
	s2 =	stileid.u32  }
0x1c3: {  	s1 =	rddreg [dreg:$0x1];
	p0 =	sne.s32 s2, $0x0  }
0x1c4: {  	s3 =	rddreg [dreg:$0x2];
	[bflag:$0x3] =	sbarrier.arrive $0xFFFF;
	s2 =	simm.s32 @!p0 $0x1C02  }
0x1c5: {  	[timem:s3], [sflag:s2] =	dma.local @!p0 [hbm:s0], s1  }
0x1c6: {  	s0 =	simm.s32 @!p0 $0x2  }
0x1c7: {  	_ =	swait.ge @!p0 [sflag:s0], s1  }
0x1c8: {  	s1 =	ssub.s32 @!p0 $0x0, s1;
	[sflag:s0] =	ssyncset.done @!p0 $0x0  }
0x1c9: {  	[sflag:s0] =	ssyncadd.s32 @!p0 s1  }
0x1ca: {  	[bflag:$0x3] =	sbarrier.arrive $0xFFFF  }
0x1cb: {  	_ =	shalt  }

</sc_bundles>
